<compile_context>
chip_gen: v7x
topology: tpu7x:2x2x1
jax: 0.10.2.dev20260603
libtpu: 0.0.44.dev20260713+nightly
codegen_flags: <defaults>
</compile_context>

<pallas_src>
import jax
import jax.numpy as jnp
from jax import lax
from jax.experimental import pallas as pl
from jax.experimental.pallas import tpu as pltpu
from jax.experimental.pallas import tpu_sc as plsc

N = 10000
E = 160000
D = 256
NS = 16
NP = 10240
EPW = E // NS
NPW = NP // NS
NPW_LAST = N - 15 * NPW
L = 16
GRID = 2
YB = NP // GRID
EB = 81920


def _prep_tc(x_ref, w_ref, coeffs_ref, b_ref, ei_ref,
             oy_ref, os_ref, osrc_ref, odst_ref):
    y = lax.dot_general(w_ref[...], x_ref[...], (((1,), (1,)), ((), ())),
                        preferred_element_type=jnp.float32)
    oy_ref[...] = y[0]

    osrc_ref[...] = ei_ref[0]
    odst_ref[...] = ei_ref[1]

    @pl.when(pl.program_id(0) == 0)
    def _():
        kc = coeffs_ref.shape[0] - 1
        p = [1.0, 0.0]
        q = [0.0, 1.0]
        for _ in range(2, kc + 1):
            p.append(2.0 * p[-1] - p[-2])
            q.append(2.0 * q[-1] - q[-2])
        alpha = jax.nn.softmax(coeffs_ref[...], axis=0)
        c_x = sum(p[k] * alpha[k] for k in range(kc + 1))
        c_a = sum(q[k] * alpha[k] for k in range(kc + 1))
        bb = b_ref[0]
        os_ref[...] = jnp.concatenate([
            jnp.full((L,), c_x, jnp.float32),
            jnp.full((L,), c_a, jnp.float32),
            jnp.full((L,), bb, jnp.float32),
        ])


def _rsqrt16(d):
    i = plsc.bitcast(d, jnp.int32)
    i = jnp.int32(0x5F3759DF) - lax.shift_right_logical(i, jnp.int32(1))
    r = plsc.bitcast(i, jnp.float32)
    for _ in range(3):
        r = r * (1.5 - 0.5 * d * r * r)
    return r


def _sc_body(src_hbm, dst_hbm, y_hbm, scal_hbm, out_hbm,
             src_v, dst_v, vals_v, gat_v, ch_y, ch_n, ch_a, ch_t, scal_v,
             sh_acc, sh_s, sem_a, sem_b, sem_c):
    w = lax.axis_index("s")
    ebase = w * EPW
    nbase = w * NPW

    half = EPW // 2
    c1a = pltpu.async_copy(src_hbm.at[pl.ds(ebase, half)],
                           src_v.at[pl.ds(0, half)], sem_a)
    c2a = pltpu.async_copy(dst_hbm.at[pl.ds(ebase, half)],
                           dst_v.at[pl.ds(0, half)], sem_a)
    c1b = pltpu.async_copy(src_hbm.at[pl.ds(ebase + half, half)],
                           src_v.at[pl.ds(half, half)], sem_b)
    c2b = pltpu.async_copy(dst_hbm.at[pl.ds(ebase + half, half)],
                           dst_v.at[pl.ds(half, half)], sem_b)
    c3 = pltpu.async_copy(y_hbm.at[pl.ds(nbase, NPW)], ch_y, sem_c)
    c4 = pltpu.async_copy(scal_hbm, scal_v, sem_c)

    ones = jnp.full((L,), 1.0, jnp.float32)
    zeros = jnp.zeros((L,), jnp.float32)

    def zero_ref(ref, base, nvec):
        @plsc.parallel_loop(0, nvec, unroll=8)
        def _(i):
            ref[pl.ds(base + i * L, L)] = zeros

    zero_ref(ch_t, 0, NPW // L)
    pltpu.sync_copy(ch_t, sh_acc.at[pl.ds(nbase, NPW)])

    c1a.wait()
    c2a.wait()
    c1b.wait()
    c2b.wait()
    c3.wait()
    c4.wait()

    @plsc.parallel_loop(0, EPW // L, unroll=16)
    def _(e):
        ds = pl.ds(e * L, L)
        s = src_v[ds]
        m = s != dst_v[ds]
        vals_v[ds] = jnp.where(m, ones, zeros)
        src_v[ds] = jnp.where(m, s, jnp.full((L,), NP - 1, jnp.int32))

    @pl.when(w == NS - 1)
    def _():
        zero_ref(ch_y, NPW_LAST, (NPW - NPW_LAST) // L)

    plsc.subcore_barrier()
    pltpu.sync_copy(vals_v, sh_acc.at[dst_v], add=True)
    plsc.subcore_barrier()
    pltpu.sync_copy(sh_acc.at[pl.ds(nbase, NPW)], ch_a)

    @plsc.parallel_loop(0, NPW // L, unroll=8)
    def _(j):
        ds = pl.ds(j * L, L)
        r = _rsqrt16(ch_a[ds] + 1.0)
        ch_n[ds] = r
        ch_t[ds] = ch_y[ds] * r

    pltpu.sync_copy(ch_t, sh_s.at[pl.ds(nbase, NPW)])

    zero_ref(ch_t, 0, NPW // L)
    pltpu.sync_copy(ch_t, sh_acc.at[pl.ds(nbase, NPW)])
    plsc.subcore_barrier()

    pltpu.sync_copy(sh_s.at[src_v], gat_v)
    pltpu.sync_copy(gat_v, sh_acc.at[dst_v], add=True)
    plsc.subcore_barrier()
    pltpu.sync_copy(sh_acc.at[pl.ds(nbase, NPW)], ch_a)

    cx = scal_v[pl.ds(0, L)]
    ca = scal_v[pl.ds(L, L)]
    bb = scal_v[pl.ds(2 * L, L)]

    @plsc.parallel_loop(0, NPW // L, unroll=8)
    def _(j):
        ds = pl.ds(j * L, L)
        s_me = ch_y[ds] * ch_n[ds]
        ch_t[ds] = cx * ch_y[ds] + ca * (ch_n[ds] * (ch_a[ds] + s_me)) + bb

    @pl.when(w < NS - 1)
    def _():
        pltpu.sync_copy(ch_t, out_hbm.at[pl.ds(nbase, NPW)])

    @pl.when(w == NS - 1)
    def _():
        pltpu.sync_copy(ch_t.at[pl.ds(0, NPW_LAST)],
                        out_hbm.at[pl.ds((NS - 1) * NPW, NPW_LAST)])


@jax.jit
def kernel(x, edge_index, coeffs, W, b):
    yv, scal, srcv, dstv = pl.pallas_call(
        _prep_tc,
        grid=(GRID,),
        in_specs=[
            pl.BlockSpec((YB, D), lambda i: (i, 0)),
            pl.BlockSpec((1, D), lambda i: (0, 0)),
            pl.BlockSpec((coeffs.shape[0],), lambda i: (0,)),
            pl.BlockSpec((1,), lambda i: (0,)),
            pl.BlockSpec((2, EB), lambda i: (0, i)),
        ],
        out_specs=(
            pl.BlockSpec((YB,), lambda i: (i,)),
            pl.BlockSpec((3 * L,), lambda i: (0,)),
            pl.BlockSpec((EB,), lambda i: (i,)),
            pl.BlockSpec((EB,), lambda i: (i,)),
        ),
        out_shape=(jax.ShapeDtypeStruct((NP,), jnp.float32),
                   jax.ShapeDtypeStruct((3 * L,), jnp.float32),
                   jax.ShapeDtypeStruct((E,), jnp.int32),
                   jax.ShapeDtypeStruct((E,), jnp.int32)),
    )(x, W, coeffs, b, edge_index)

    mesh = plsc.VectorSubcoreMesh(
        core_axis_name="c", subcore_axis_name="s", num_cores=1,
        num_subcores=NS)
    sc = pl.kernel(
        _sc_body,
        out_type=jax.ShapeDtypeStruct((N,), jnp.float32),
        mesh=mesh,
        compiler_params=pltpu.CompilerParams(needs_layout_passes=False),
        scratch_types=[
            pltpu.VMEM((EPW,), jnp.int32),
            pltpu.VMEM((EPW,), jnp.int32),
            pltpu.VMEM((EPW,), jnp.float32),
            pltpu.VMEM((EPW,), jnp.float32),
            pltpu.VMEM((NPW,), jnp.float32),
            pltpu.VMEM((NPW,), jnp.float32),
            pltpu.VMEM((NPW,), jnp.float32),
            pltpu.VMEM((NPW,), jnp.float32),
            pltpu.VMEM((3 * L,), jnp.float32),
            pltpu.VMEM_SHARED((NP,), jnp.float32),
            pltpu.VMEM_SHARED((NP,), jnp.float32),
            pltpu.SemaphoreType.DMA,
            pltpu.SemaphoreType.DMA,
            pltpu.SemaphoreType.DMA,
        ],
    )
    return sc(srcv, dstv, yv, scal)

# --- scband reference (transcript-rebuilt; emitter-appended) ---
"""Pipeline reference for scband-cheb-net-ii-53283364274277 (READ-ONLY COPY).

The authoritative reference and input builder live on the scoring server;
editing this copy changes nothing except your own understanding.
"""

import jax, jax.numpy as jnp
import numpy as np

N = 10000
E = 160000
D = 256
K = 3

def setup_inputs(seed: int = 0) -> dict:
    key = jax.random.key(seed)
    k1, k2, k3 = jax.random.split(key, 3)
    x = jax.random.normal(k1, (N, D), dtype=jnp.float32)
    edge_index = jax.random.randint(k2, (2, E), 0, N, dtype=jnp.int32)
    # learned parameters per init_kwargs: coeffs = ones(K+1), linear: in_feats -> 1
    coeffs = jnp.ones((K + 1,), dtype=jnp.float32)
    W = jax.random.normal(k3, (1, D), dtype=jnp.float32) * 0.05
    b = jnp.zeros((1,), dtype=jnp.float32)
    return {"x": x, "edge_index": edge_index, "coeffs": coeffs, "W": W, "b": b}

def reference(x, edge_index, coeffs, W, b):
    n = x.shape[0]
    Kc = coeffs.shape[0] - 1
    src = edge_index[0]
    dst = edge_index[1]
    # dgl.remove_self_loop (fixed-shape: mask out self-loop edge contributions)
    mask = src != dst
    # dgl.add_self_loop
    loop = jnp.arange(n, dtype=src.dtype)
    src = jnp.concatenate([src, loop])
    dst = jnp.concatenate([dst, loop])
    mask_all = jnp.concatenate([mask, jnp.ones((n,), dtype=bool)])
    # in-degrees, clamp(min=1)
    degs = jnp.zeros((n,), dtype=jnp.float32).at[dst].add(mask_all.astype(jnp.float32))
    degs = jnp.clip(degs, 1.0, None)
    norm = jnp.power(degs, -0.5)[:, None]
    # g.ndata['h'] = x * norm; update_all(copy_u, sum)
    h = x * norm
    agg = jnp.zeros_like(x).at[dst].add(h[src] * mask_all[:, None])
    Ax = agg * norm
    # faithful Chebyshev-like recurrence exactly as in the torch code
    Tx = [x, Ax]
    for k in range(2, Kc + 1):
        Tk = 2 * Ax - Tx[-2]
        Tx.append(Tk)
        Ax = Tk
    alpha = jax.nn.softmax(coeffs, axis=0)
    out = sum(alpha[k] * Tx[k] for k in range(Kc + 1))
    logits = (out @ W.T + b).squeeze(-1)
    return logits

if __name__ == "__main__":
    import jax
    _d = setup_inputs()
    print(jax.jit(kernel)(*tuple(_d.values())))

</pallas_src>

<mosaic_0001>
#map = affine_map<(d0, d1) -> (0)>
module attributes {stable_mosaic.version = 14 : i64} {
  func.func @_sc_body(%arg0: i32, %arg1: i32, %arg2: memref<160000xi32, #tpu.memory_space<hbm>>, %arg3: memref<160000xi32, #tpu.memory_space<hbm>>, %arg4: memref<10240xf32, #tpu.memory_space<hbm>>, %arg5: memref<48xf32, #tpu.memory_space<hbm>>, %arg6: memref<10000xf32, #tpu.memory_space<hbm>>, %arg7: memref<10000xi32, #tpu.memory_space<vmem>>, %arg8: memref<10000xi32, #tpu.memory_space<vmem>>, %arg9: memref<10000xf32, #tpu.memory_space<vmem>>, %arg10: memref<10000xf32, #tpu.memory_space<vmem>>, %arg11: memref<640xf32, #tpu.memory_space<vmem>>, %arg12: memref<640xf32, #tpu.memory_space<vmem>>, %arg13: memref<640xf32, #tpu.memory_space<vmem>>, %arg14: memref<640xf32, #tpu.memory_space<vmem>>, %arg15: memref<48xf32, #tpu.memory_space<vmem>>, %arg16: memref<10240xf32, #tpu.memory_space<vmem_shared>>, %arg17: memref<10240xf32, #tpu.memory_space<vmem_shared>>, %arg18: memref<!tpu.dma_semaphore, #tpu.memory_space<semaphore_mem>>, %arg19: memref<!tpu.dma_semaphore, #tpu.memory_space<semaphore_mem>>, %arg20: memref<!tpu.dma_semaphore, #tpu.memory_space<semaphore_mem>>) attributes {dimension_semantics = [#tpu.dimension_semantics<core_parallel>, #tpu.dimension_semantics<subcore_parallel>], iteration_bounds = array<i64: 1, 16>, scalar_prefetch = 0 : i64, scratch_operands = 14 : i64, tpu.core_type = #tpu.core_type<sc_vector_subcore>, window_params = [{transform_indices = #map}, {transform_indices = #map}, {transform_indices = #map}, {transform_indices = #map}, {transform_indices = #map}]} {
    %mul3A = arith.constant 10000 : i32
    %mul3A_0 = arith.muli %arg1, %mul3A : i32
    %mul3A_1 = arith.constant 640 : i32
    %mul3A_2 = arith.muli %arg1, %mul3A_1 : i32
    %dma_start3A = arith.constant 0 : i32
    %dma_start3A_3 = tpu.memref_slice %arg7[%dma_start3A] : memref<10000xi32, #tpu.memory_space<vmem>> -> memref<5000xi32, #tpu.memory_space<vmem>>
    %dma_start3A_4 = tpu.memref_slice %arg2[%mul3A_0] : memref<160000xi32, #tpu.memory_space<hbm>> -> memref<5000xi32, #tpu.memory_space<hbm>>
    %dma_start3A_5 = arith.constant 0 : i32
    %dma_start3A_6 = tpu.memref_slice %arg7[%dma_start3A_5] : memref<10000xi32, #tpu.memory_space<vmem>> -> memref<5000xi32, #tpu.memory_space<vmem>>
    %dma_start3A_7 = tpu.memref_slice %arg2[%mul3A_0] : memref<160000xi32, #tpu.memory_space<hbm>> -> memref<5000xi32, #tpu.memory_space<hbm>>
    tpu.enqueue_dma source(%dma_start3A_7 : memref<5000xi32, #tpu.memory_space<hbm>>) target(%dma_start3A_6 : memref<5000xi32, #tpu.memory_space<vmem>>) target_semaphore(%arg18 : memref<!tpu.dma_semaphore, #tpu.memory_space<semaphore_mem>>)
    %dma_start3A_8 = arith.constant 0 : i32
    %dma_start3A_9 = tpu.memref_slice %arg8[%dma_start3A_8] : memref<10000xi32, #tpu.memory_space<vmem>> -> memref<5000xi32, #tpu.memory_space<vmem>>
    %dma_start3A_10 = tpu.memref_slice %arg3[%mul3A_0] : memref<160000xi32, #tpu.memory_space<hbm>> -> memref<5000xi32, #tpu.memory_space<hbm>>
    %dma_start3A_11 = arith.constant 0 : i32
    %dma_start3A_12 = tpu.memref_slice %arg8[%dma_start3A_11] : memref<10000xi32, #tpu.memory_space<vmem>> -> memref<5000xi32, #tpu.memory_space<vmem>>
    %dma_start3A_13 = tpu.memref_slice %arg3[%mul3A_0] : memref<160000xi32, #tpu.memory_space<hbm>> -> memref<5000xi32, #tpu.memory_space<hbm>>
    tpu.enqueue_dma source(%dma_start3A_13 : memref<5000xi32, #tpu.memory_space<hbm>>) target(%dma_start3A_12 : memref<5000xi32, #tpu.memory_space<vmem>>) target_semaphore(%arg18 : memref<!tpu.dma_semaphore, #tpu.memory_space<semaphore_mem>>)
    %add3A = arith.constant 5000 : i32
    %add3A_14 = arith.addi %mul3A_0, %add3A : i32
    %dma_start3A_15 = arith.constant 5000 : i32
    %dma_start3A_16 = tpu.memref_slice %arg7[%dma_start3A_15] : memref<10000xi32, #tpu.memory_space<vmem>> -> memref<5000xi32, #tpu.memory_space<vmem>>
    %dma_start3A_17 = tpu.memref_slice %arg2[%add3A_14] : memref<160000xi32, #tpu.memory_space<hbm>> -> memref<5000xi32, #tpu.memory_space<hbm>>
    %dma_start3A_18 = arith.constant 5000 : i32
    %dma_start3A_19 = tpu.memref_slice %arg7[%dma_start3A_18] : memref<10000xi32, #tpu.memory_space<vmem>> -> memref<5000xi32, #tpu.memory_space<vmem>>
    %dma_start3A_20 = tpu.memref_slice %arg2[%add3A_14] : memref<160000xi32, #tpu.memory_space<hbm>> -> memref<5000xi32, #tpu.memory_space<hbm>>
    tpu.enqueue_dma source(%dma_start3A_20 : memref<5000xi32, #tpu.memory_space<hbm>>) target(%dma_start3A_19 : memref<5000xi32, #tpu.memory_space<vmem>>) target_semaphore(%arg19 : memref<!tpu.dma_semaphore, #tpu.memory_space<semaphore_mem>>)
    %add3A_21 = arith.constant 5000 : i32
    %add3A_22 = arith.addi %mul3A_0, %add3A_21 : i32
    %dma_start3A_23 = arith.constant 5000 : i32
    %dma_start3A_24 = tpu.memref_slice %arg8[%dma_start3A_23] : memref<10000xi32, #tpu.memory_space<vmem>> -> memref<5000xi32, #tpu.memory_space<vmem>>
    %dma_start3A_25 = tpu.memref_slice %arg3[%add3A_22] : memref<160000xi32, #tpu.memory_space<hbm>> -> memref<5000xi32, #tpu.memory_space<hbm>>
    %dma_start3A_26 = arith.constant 5000 : i32
    %dma_start3A_27 = tpu.memref_slice %arg8[%dma_start3A_26] : memref<10000xi32, #tpu.memory_space<vmem>> -> memref<5000xi32, #tpu.memory_space<vmem>>
    %dma_start3A_28 = tpu.memref_slice %arg3[%add3A_22] : memref<160000xi32, #tpu.memory_space<hbm>> -> memref<5000xi32, #tpu.memory_space<hbm>>
    tpu.enqueue_dma source(%dma_start3A_28 : memref<5000xi32, #tpu.memory_space<hbm>>) target(%dma_start3A_27 : memref<5000xi32, #tpu.memory_space<vmem>>) target_semaphore(%arg19 : memref<!tpu.dma_semaphore, #tpu.memory_space<semaphore_mem>>)
    %dma_start3A_29 = tpu.memref_slice %arg4[%mul3A_2] : memref<10240xf32, #tpu.memory_space<hbm>> -> memref<640xf32, #tpu.memory_space<hbm>>
    %dma_start3A_30 = tpu.memref_slice %arg4[%mul3A_2] : memref<10240xf32, #tpu.memory_space<hbm>> -> memref<640xf32, #tpu.memory_space<hbm>>
    tpu.enqueue_dma source(%dma_start3A_30 : memref<640xf32, #tpu.memory_space<hbm>>) target(%arg11 : memref<640xf32, #tpu.memory_space<vmem>>) target_semaphore(%arg20 : memref<!tpu.dma_semaphore, #tpu.memory_space<semaphore_mem>>)
    tpu.enqueue_dma source(%arg5 : memref<48xf32, #tpu.memory_space<hbm>>) target(%arg15 : memref<48xf32, #tpu.memory_space<vmem>>) target_semaphore(%arg20 : memref<!tpu.dma_semaphore, #tpu.memory_space<semaphore_mem>>)
    %broadcast_in_dim3A = arith.constant 1.000000e+00 : f32
    %broadcast_in_dim3A_31 = vector.broadcast %broadcast_in_dim3A : f32 to vector<16xf32>
    %broadcast_in_dim3A_32 = arith.constant 0.000000e+00 : f32
    %broadcast_in_dim3A_33 = vector.broadcast %broadcast_in_dim3A_32 : f32 to vector<16xf32>
    %parallel_loop3A = arith.constant 0 : i32
    %parallel_loop3A_34 = arith.constant 40 : i32
    %parallel_loop3A_35 = arith.constant 1 : i32
    scf.for %parallel_loop3A_92 = %parallel_loop3A to %parallel_loop3A_34 step %parallel_loop3A_35  : i32 {
      %parallel_loop3A_93 = arith.constant 16 : i32
      %parallel_loop3A_94 = arith.muli %parallel_loop3A_92, %parallel_loop3A_93 : i32
      %parallel_loop3A_95 = arith.constant 0 : i32
      %parallel_loop3A_96 = arith.addi %parallel_loop3A_95, %parallel_loop3A_94 : i32
      %parallel_loop3A_97 = arith.index_cast %parallel_loop3A_96 : i32 to index
      %parallel_loop3A_98 = tpu.vector_load %arg14[%parallel_loop3A_97] {strides = array<i32>} : memref<640xf32, #tpu.memory_space<vmem>>, vector<16xf32>,
      tpu.vector_store %arg14[%parallel_loop3A_97], %broadcast_in_dim3A_33 {strides = array<i32>} : memref<640xf32, #tpu.memory_space<vmem>>, vector<16xf32>,
    } {sc.loop_unroll_factor = 8 : i64, sc.parallel_access}
    "tpu.region"() ({
      %run_scoped3A = tpu.sem_alloc : memref<!tpu.dma_semaphore, #tpu.memory_space<semaphore_mem>>
      %dma_start3A_92 = tpu.memref_slice %arg16[%mul3A_2] : memref<10240xf32, #tpu.memory_space<vmem_shared>> -> memref<640xf32, #tpu.memory_space<vmem_shared>>
      %dma_start3A_93 = tpu.memref_slice %arg16[%mul3A_2] : memref<10240xf32, #tpu.memory_space<vmem_shared>> -> memref<640xf32, #tpu.memory_space<vmem_shared>>
      tpu.enqueue_dma source(%arg14 : memref<640xf32, #tpu.memory_space<vmem>>) target(%dma_start3A_93 : memref<640xf32, #tpu.memory_space<vmem_shared>>) target_semaphore(%run_scoped3A : memref<!tpu.dma_semaphore, #tpu.memory_space<semaphore_mem>>)
      %dma_wait3A_94 = tpu.memref_slice %arg16[%mul3A_2] : memref<10240xf32, #tpu.memory_space<vmem_shared>> -> memref<640xf32, #tpu.memory_space<vmem_shared>>
      %dma_wait3A_95 = tpu.memref_slice %arg16[%mul3A_2] : memref<10240xf32, #tpu.memory_space<vmem_shared>> -> memref<640xf32, #tpu.memory_space<vmem_shared>>
      tpu.wait_dma2 semaphore(%run_scoped3A : memref<!tpu.dma_semaphore, #tpu.memory_space<semaphore_mem>>) src(%arg14 : memref<640xf32, #tpu.memory_space<vmem>>) dst(%dma_wait3A_95 : memref<640xf32, #tpu.memory_space<vmem_shared>>)
      tpu.yield
    }) : () -> ()
    %dma_wait3A = arith.constant 0 : i32
    %dma_wait3A_36 = tpu.memref_slice %arg7[%dma_wait3A] : memref<10000xi32, #tpu.memory_space<vmem>> -> memref<5000xi32, #tpu.memory_space<vmem>>
    %dma_wait3A_37 = tpu.memref_slice %arg2[%mul3A_0] : memref<160000xi32, #tpu.memory_space<hbm>> -> memref<5000xi32, #tpu.memory_space<hbm>>
    %dma_wait3A_38 = arith.constant 0 : i32
    %dma_wait3A_39 = tpu.memref_slice %arg7[%dma_wait3A_38] : memref<10000xi32, #tpu.memory_space<vmem>> -> memref<5000xi32, #tpu.memory_space<vmem>>
    %dma_wait3A_40 = tpu.memref_slice %arg2[%mul3A_0] : memref<160000xi32, #tpu.memory_space<hbm>> -> memref<5000xi32, #tpu.memory_space<hbm>>
    tpu.wait_dma2 semaphore(%arg18 : memref<!tpu.dma_semaphore, #tpu.memory_space<semaphore_mem>>) src(%dma_wait3A_40 : memref<5000xi32, #tpu.memory_space<hbm>>) dst(%dma_wait3A_39 : memref<5000xi32, #tpu.memory_space<vmem>>)
    %dma_wait3A_41 = arith.constant 0 : i32
    %dma_wait3A_42 = tpu.memref_slice %arg8[%dma_wait3A_41] : memref<10000xi32, #tpu.memory_space<vmem>> -> memref<5000xi32, #tpu.memory_space<vmem>>
    %dma_wait3A_43 = tpu.memref_slice %arg3[%mul3A_0] : memref<160000xi32, #tpu.memory_space<hbm>> -> memref<5000xi32, #tpu.memory_space<hbm>>
    %dma_wait3A_44 = arith.constant 0 : i32
    %dma_wait3A_45 = tpu.memref_slice %arg8[%dma_wait3A_44] : memref<10000xi32, #tpu.memory_space<vmem>> -> memref<5000xi32, #tpu.memory_space<vmem>>
    %dma_wait3A_46 = tpu.memref_slice %arg3[%mul3A_0] : memref<160000xi32, #tpu.memory_space<hbm>> -> memref<5000xi32, #tpu.memory_space<hbm>>
    tpu.wait_dma2 semaphore(%arg18 : memref<!tpu.dma_semaphore, #tpu.memory_space<semaphore_mem>>) src(%dma_wait3A_46 : memref<5000xi32, #tpu.memory_space<hbm>>) dst(%dma_wait3A_45 : memref<5000xi32, #tpu.memory_space<vmem>>)
    %dma_wait3A_47 = arith.constant 5000 : i32
    %dma_wait3A_48 = tpu.memref_slice %arg7[%dma_wait3A_47] : memref<10000xi32, #tpu.memory_space<vmem>> -> memref<5000xi32, #tpu.memory_space<vmem>>
    %dma_wait3A_49 = tpu.memref_slice %arg2[%add3A_14] : memref<160000xi32, #tpu.memory_space<hbm>> -> memref<5000xi32, #tpu.memory_space<hbm>>
    %dma_wait3A_50 = arith.constant 5000 : i32
    %dma_wait3A_51 = tpu.memref_slice %arg7[%dma_wait3A_50] : memref<10000xi32, #tpu.memory_space<vmem>> -> memref<5000xi32, #tpu.memory_space<vmem>>
    %dma_wait3A_52 = tpu.memref_slice %arg2[%add3A_14] : memref<160000xi32, #tpu.memory_space<hbm>> -> memref<5000xi32, #tpu.memory_space<hbm>>
    tpu.wait_dma2 semaphore(%arg19 : memref<!tpu.dma_semaphore, #tpu.memory_space<semaphore_mem>>) src(%dma_wait3A_52 : memref<5000xi32, #tpu.memory_space<hbm>>) dst(%dma_wait3A_51 : memref<5000xi32, #tpu.memory_space<vmem>>)
    %dma_wait3A_53 = arith.constant 5000 : i32
    %dma_wait3A_54 = tpu.memref_slice %arg8[%dma_wait3A_53] : memref<10000xi32, #tpu.memory_space<vmem>> -> memref<5000xi32, #tpu.memory_space<vmem>>
    %dma_wait3A_55 = tpu.memref_slice %arg3[%add3A_22] : memref<160000xi32, #tpu.memory_space<hbm>> -> memref<5000xi32, #tpu.memory_space<hbm>>
    %dma_wait3A_56 = arith.constant 5000 : i32
    %dma_wait3A_57 = tpu.memref_slice %arg8[%dma_wait3A_56] : memref<10000xi32, #tpu.memory_space<vmem>> -> memref<5000xi32, #tpu.memory_space<vmem>>
    %dma_wait3A_58 = tpu.memref_slice %arg3[%add3A_22] : memref<160000xi32, #tpu.memory_space<hbm>> -> memref<5000xi32, #tpu.memory_space<hbm>>
    tpu.wait_dma2 semaphore(%arg19 : memref<!tpu.dma_semaphore, #tpu.memory_space<semaphore_mem>>) src(%dma_wait3A_58 : memref<5000xi32, #tpu.memory_space<hbm>>) dst(%dma_wait3A_57 : memref<5000xi32, #tpu.memory_space<vmem>>)
    %dma_wait3A_59 = tpu.memref_slice %arg4[%mul3A_2] : memref<10240xf32, #tpu.memory_space<hbm>> -> memref<640xf32, #tpu.memory_space<hbm>>
    %dma_wait3A_60 = tpu.memref_slice %arg4[%mul3A_2] : memref<10240xf32, #tpu.memory_space<hbm>> -> memref<640xf32, #tpu.memory_space<hbm>>
    tpu.wait_dma2 semaphore(%arg20 : memref<!tpu.dma_semaphore, #tpu.memory_space<semaphore_mem>>) src(%dma_wait3A_60 : memref<640xf32, #tpu.memory_space<hbm>>) dst(%arg11 : memref<640xf32, #tpu.memory_space<vmem>>)
    tpu.wait_dma2 semaphore(%arg20 : memref<!tpu.dma_semaphore, #tpu.memory_space<semaphore_mem>>) src(%arg5 : memref<48xf32, #tpu.memory_space<hbm>>) dst(%arg15 : memref<48xf32, #tpu.memory_space<vmem>>)
    %parallel_loop3A_61 = arith.constant 0 : i32
    %parallel_loop3A_62 = arith.constant 625 : i32
    %parallel_loop3A_63 = arith.constant 1 : i32
    scf.for %parallel_loop3A_92 = %parallel_loop3A_61 to %parallel_loop3A_62 step %parallel_loop3A_63  : i32 {
      %parallel_loop3A_93 = arith.constant 16 : i32
      %parallel_loop3A_94 = arith.muli %parallel_loop3A_92, %parallel_loop3A_93 : i32
      %parallel_loop3A_95 = arith.index_cast %parallel_loop3A_94 : i32 to index
      %parallel_loop3A_96 = tpu.vector_load %arg7[%parallel_loop3A_95] {strides = array<i32>} : memref<10000xi32, #tpu.memory_space<vmem>>, vector<16xi32>,
      %parallel_loop3A_97 = arith.index_cast %parallel_loop3A_94 : i32 to index
      %parallel_loop3A_98 = tpu.vector_load %arg8[%parallel_loop3A_97] {strides = array<i32>} : memref<10000xi32, #tpu.memory_space<vmem>>, vector<16xi32>,
      %parallel_loop3A_99 = arith.cmpi ne, %parallel_loop3A_96, %parallel_loop3A_98 : vector<16xi32>
      %parallel_loop3A_100 = arith.select %parallel_loop3A_99, %broadcast_in_dim3A_31, %broadcast_in_dim3A_33 : vector<16xi1>, vector<16xf32>
      %parallel_loop3A_101 = arith.index_cast %parallel_loop3A_94 : i32 to index
      %parallel_loop3A_102 = tpu.vector_load %arg9[%parallel_loop3A_101] {strides = array<i32>} : memref<10000xf32, #tpu.memory_space<vmem>>, vector<16xf32>,
      tpu.vector_store %arg9[%parallel_loop3A_101], %parallel_loop3A_100 {strides = array<i32>} : memref<10000xf32, #tpu.memory_space<vmem>>, vector<16xf32>,
      %parallel_loop3A_103 = arith.constant 10239 : i32
      %parallel_loop3A_104 = vector.broadcast %parallel_loop3A_103 : i32 to vector<16xi32>
      %parallel_loop3A_105 = arith.select %parallel_loop3A_99, %parallel_loop3A_96, %parallel_loop3A_104 : vector<16xi1>, vector<16xi32>
      %parallel_loop3A_106 = arith.index_cast %parallel_loop3A_94 : i32 to index
      %parallel_loop3A_107 = tpu.vector_load %arg7[%parallel_loop3A_106] {strides = array<i32>} : memref<10000xi32, #tpu.memory_space<vmem>>, vector<16xi32>,
      tpu.vector_store %arg7[%parallel_loop3A_106], %parallel_loop3A_105 {strides = array<i32>} : memref<10000xi32, #tpu.memory_space<vmem>>, vector<16xi32>,
    } {sc.loop_unroll_factor = 16 : i64, sc.parallel_access}
    %eq3A = arith.constant 15 : i32
    %eq3A_64 = arith.cmpi eq, %arg1, %eq3A : i32
    %convert_element_type3A = arith.extui %eq3A_64 : i1 to i32
    %cond3A = arith.constant 0 : i32
    %cond3A_65 = arith.cmpi ne, %convert_element_type3A, %cond3A : i32
    scf.if %cond3A_65 {
      %parallel_loop3A_92 = arith.constant 0 : i32
      %parallel_loop3A_93 = arith.constant 15 : i32
      %parallel_loop3A_94 = arith.constant 1 : i32
      scf.for %parallel_loop3A_95 = %parallel_loop3A_92 to %parallel_loop3A_93 step %parallel_loop3A_94  : i32 {
        %parallel_loop3A_96 = arith.constant 16 : i32
        %parallel_loop3A_97 = arith.muli %parallel_loop3A_95, %parallel_loop3A_96 : i32
        %parallel_loop3A_98 = arith.constant 400 : i32
        %parallel_loop3A_99 = arith.addi %parallel_loop3A_98, %parallel_loop3A_97 : i32
        %parallel_loop3A_100 = arith.index_cast %parallel_loop3A_99 : i32 to index
        %parallel_loop3A_101 = tpu.vector_load %arg11[%parallel_loop3A_100] {strides = array<i32>} : memref<640xf32, #tpu.memory_space<vmem>>, vector<16xf32>,
        tpu.vector_store %arg11[%parallel_loop3A_100], %broadcast_in_dim3A_33 {strides = array<i32>} : memref<640xf32, #tpu.memory_space<vmem>>, vector<16xf32>,
      } {sc.loop_unroll_factor = 8 : i64, sc.parallel_access}
    } else {
    }
    %barrier3A = arith.constant 0 : index
    tpu.barrier barrier_id(%barrier3A)
    "tpu.region"() ({
      %run_scoped3A = tpu.sem_alloc : memref<!tpu.dma_semaphore, #tpu.memory_space<semaphore_mem>>
      %dma_start3A_92 = arith.constant 0 : i32
      %dma_start3A_93 = tpu.memref_slice %arg16[%dma_start3A_92] : memref<10240xf32, #tpu.memory_space<vmem_shared>> -> memref<10240xf32, #tpu.memory_space<vmem_shared>>
      tpu.enqueue_indirect_dma source(%arg9 : memref<10000xf32, #tpu.memory_space<vmem>>) target(%dma_start3A_93 : memref<10240xf32, #tpu.memory_space<vmem_shared>>) offsets(%arg8 : memref<10000xi32, #tpu.memory_space<vmem>>) semaphore(%run_scoped3A : memref<!tpu.dma_semaphore, #tpu.memory_space<semaphore_mem>>) {add = true}
      %dma_wait3A_94 = arith.constant 0 : i32
      %dma_wait3A_95 = tpu.memref_slice %arg16[%dma_wait3A_94] : memref<10240xf32, #tpu.memory_space<vmem_shared>> -> memref<10240xf32, #tpu.memory_space<vmem_shared>>
      tpu.wait_indirect_dma semaphore(%run_scoped3A : memref<!tpu.dma_semaphore, #tpu.memory_space<semaphore_mem>>) src(%arg9 : memref<10000xf32, #tpu.memory_space<vmem>>) dst(%dma_wait3A_95 : memref<10240xf32, #tpu.memory_space<vmem_shared>>)
      tpu.yield
    }) : () -> ()
    %barrier3A_66 = arith.constant 0 : index
    tpu.barrier barrier_id(%barrier3A_66)
    "tpu.region"() ({
      %run_scoped3A = tpu.sem_alloc : memref<!tpu.dma_semaphore, #tpu.memory_space<semaphore_mem>>
      %dma_start3A_92 = tpu.memref_slice %arg16[%mul3A_2] : memref<10240xf32, #tpu.memory_space<vmem_shared>> -> memref<640xf32, #tpu.memory_space<vmem_shared>>
      %dma_start3A_93 = tpu.memref_slice %arg16[%mul3A_2] : memref<10240xf32, #tpu.memory_space<vmem_shared>> -> memref<640xf32, #tpu.memory_space<vmem_shared>>
      tpu.enqueue_dma source(%dma_start3A_93 : memref<640xf32, #tpu.memory_space<vmem_shared>>) target(%arg13 : memref<640xf32, #tpu.memory_space<vmem>>) target_semaphore(%run_scoped3A : memref<!tpu.dma_semaphore, #tpu.memory_space<semaphore_mem>>)
      %dma_wait3A_94 = tpu.memref_slice %arg16[%mul3A_2] : memref<10240xf32, #tpu.memory_space<vmem_shared>> -> memref<640xf32, #tpu.memory_space<vmem_shared>>
      %dma_wait3A_95 = tpu.memref_slice %arg16[%mul3A_2] : memref<10240xf32, #tpu.memory_space<vmem_shared>> -> memref<640xf32, #tpu.memory_space<vmem_shared>>
      tpu.wait_dma2 semaphore(%run_scoped3A : memref<!tpu.dma_semaphore, #tpu.memory_space<semaphore_mem>>) src(%dma_wait3A_95 : memref<640xf32, #tpu.memory_space<vmem_shared>>) dst(%arg13 : memref<640xf32, #tpu.memory_space<vmem>>)
      tpu.yield
    }) : () -> ()
    %parallel_loop3A_67 = arith.constant 0 : i32
    %parallel_loop3A_68 = arith.constant 40 : i32
    %parallel_loop3A_69 = arith.constant 1 : i32
    scf.for %parallel_loop3A_92 = %parallel_loop3A_67 to %parallel_loop3A_68 step %parallel_loop3A_69  : i32 {
      %parallel_loop3A_93 = arith.constant 16 : i32
      %parallel_loop3A_94 = arith.muli %parallel_loop3A_92, %parallel_loop3A_93 : i32
      %parallel_loop3A_95 = arith.index_cast %parallel_loop3A_94 : i32 to index
      %parallel_loop3A_96 = tpu.vector_load %arg13[%parallel_loop3A_95] {strides = array<i32>} : memref<640xf32, #tpu.memory_space<vmem>>, vector<16xf32>,
      %parallel_loop3A_97 = arith.constant 1.000000e+00 : f32
      %parallel_loop3A_98 = vector.broadcast %parallel_loop3A_97 : f32 to vector<16xf32>
      %parallel_loop3A_99 = arith.addf %parallel_loop3A_96, %parallel_loop3A_98 : vector<16xf32>
      %parallel_loop3A_100 = vector.bitcast %parallel_loop3A_99 : vector<16xf32> to vector<16xi32>
      %parallel_loop3A_101 = arith.constant 1 : i32
      %parallel_loop3A_102 = vector.broadcast %parallel_loop3A_101 : i32 to vector<16xi32>
      %parallel_loop3A_103 = arith.shrui %parallel_loop3A_100, %parallel_loop3A_102 : vector<16xi32>
      %parallel_loop3A_104 = arith.constant 1597463007 : i32
      %parallel_loop3A_105 = vector.broadcast %parallel_loop3A_104 : i32 to vector<16xi32>
      %parallel_loop3A_106 = arith.subi %parallel_loop3A_105, %parallel_loop3A_103 : vector<16xi32>
      %parallel_loop3A_107 = vector.bitcast %parallel_loop3A_106 : vector<16xi32> to vector<16xf32>
      %parallel_loop3A_108 = arith.constant 5.000000e-01 : f32
      %parallel_loop3A_109 = vector.broadcast %parallel_loop3A_108 : f32 to vector<16xf32>
      %parallel_loop3A_110 = arith.mulf %parallel_loop3A_109, %parallel_loop3A_99 : vector<16xf32>
      %parallel_loop3A_111 = arith.mulf %parallel_loop3A_110, %parallel_loop3A_107 : vector<16xf32>
      %parallel_loop3A_112 = arith.mulf %parallel_loop3A_111, %parallel_loop3A_107 : vector<16xf32>
      %parallel_loop3A_113 = arith.constant 1.500000e+00 : f32
      %parallel_loop3A_114 = vector.broadcast %parallel_loop3A_113 : f32 to vector<16xf32>
      %parallel_loop3A_115 = arith.subf %parallel_loop3A_114, %parallel_loop3A_112 : vector<16xf32>
      %parallel_loop3A_116 = arith.mulf %parallel_loop3A_107, %parallel_loop3A_115 : vector<16xf32>
      %parallel_loop3A_117 = arith.constant 5.000000e-01 : f32
      %parallel_loop3A_118 = vector.broadcast %parallel_loop3A_117 : f32 to vector<16xf32>
      %parallel_loop3A_119 = arith.mulf %parallel_loop3A_118, %parallel_loop3A_99 : vector<16xf32>
      %parallel_loop3A_120 = arith.mulf %parallel_loop3A_119, %parallel_loop3A_116 : vector<16xf32>
      %parallel_loop3A_121 = arith.mulf %parallel_loop3A_120, %parallel_loop3A_116 : vector<16xf32>
      %parallel_loop3A_122 = arith.constant 1.500000e+00 : f32
      %parallel_loop3A_123 = vector.broadcast %parallel_loop3A_122 : f32 to vector<16xf32>
      %parallel_loop3A_124 = arith.subf %parallel_loop3A_123, %parallel_loop3A_121 : vector<16xf32>
      %parallel_loop3A_125 = arith.mulf %parallel_loop3A_116, %parallel_loop3A_124 : vector<16xf32>
      %parallel_loop3A_126 = arith.constant 5.000000e-01 : f32
      %parallel_loop3A_127 = vector.broadcast %parallel_loop3A_126 : f32 to vector<16xf32>
      %parallel_loop3A_128 = arith.mulf %parallel_loop3A_127, %parallel_loop3A_99 : vector<16xf32>
      %parallel_loop3A_129 = arith.mulf %parallel_loop3A_128, %parallel_loop3A_125 : vector<16xf32>
      %parallel_loop3A_130 = arith.mulf %parallel_loop3A_129, %parallel_loop3A_125 : vector<16xf32>
      %parallel_loop3A_131 = arith.constant 1.500000e+00 : f32
      %parallel_loop3A_132 = vector.broadcast %parallel_loop3A_131 : f32 to vector<16xf32>
      %parallel_loop3A_133 = arith.subf %parallel_loop3A_132, %parallel_loop3A_130 : vector<16xf32>
      %parallel_loop3A_134 = arith.mulf %parallel_loop3A_125, %parallel_loop3A_133 : vector<16xf32>
      %parallel_loop3A_135 = arith.index_cast %parallel_loop3A_94 : i32 to index
      %parallel_loop3A_136 = tpu.vector_load %arg12[%parallel_loop3A_135] {strides = array<i32>} : memref<640xf32, #tpu.memory_space<vmem>>, vector<16xf32>,
      tpu.vector_store %arg12[%parallel_loop3A_135], %parallel_loop3A_134 {strides = array<i32>} : memref<640xf32, #tpu.memory_space<vmem>>, vector<16xf32>,
      %parallel_loop3A_137 = arith.index_cast %parallel_loop3A_94 : i32 to index
      %parallel_loop3A_138 = tpu.vector_load %arg11[%parallel_loop3A_137] {strides = array<i32>} : memref<640xf32, #tpu.memory_space<vmem>>, vector<16xf32>,
      %parallel_loop3A_139 = arith.mulf %parallel_loop3A_138, %parallel_loop3A_134 : vector<16xf32>
      %parallel_loop3A_140 = arith.index_cast %parallel_loop3A_94 : i32 to index
      %parallel_loop3A_141 = tpu.vector_load %arg14[%parallel_loop3A_140] {strides = array<i32>} : memref<640xf32, #tpu.memory_space<vmem>>, vector<16xf32>,
      tpu.vector_store %arg14[%parallel_loop3A_140], %parallel_loop3A_139 {strides = array<i32>} : memref<640xf32, #tpu.memory_space<vmem>>, vector<16xf32>,
    } {sc.loop_unroll_factor = 8 : i64, sc.parallel_access}
    "tpu.region"() ({
      %run_scoped3A = tpu.sem_alloc : memref<!tpu.dma_semaphore, #tpu.memory_space<semaphore_mem>>
      %dma_start3A_92 = tpu.memref_slice %arg17[%mul3A_2] : memref<10240xf32, #tpu.memory_space<vmem_shared>> -> memref<640xf32, #tpu.memory_space<vmem_shared>>
      %dma_start3A_93 = tpu.memref_slice %arg17[%mul3A_2] : memref<10240xf32, #tpu.memory_space<vmem_shared>> -> memref<640xf32, #tpu.memory_space<vmem_shared>>
      tpu.enqueue_dma source(%arg14 : memref<640xf32, #tpu.memory_space<vmem>>) target(%dma_start3A_93 : memref<640xf32, #tpu.memory_space<vmem_shared>>) target_semaphore(%run_scoped3A : memref<!tpu.dma_semaphore, #tpu.memory_space<semaphore_mem>>)
      %dma_wait3A_94 = tpu.memref_slice %arg17[%mul3A_2] : memref<10240xf32, #tpu.memory_space<vmem_shared>> -> memref<640xf32, #tpu.memory_space<vmem_shared>>
      %dma_wait3A_95 = tpu.memref_slice %arg17[%mul3A_2] : memref<10240xf32, #tpu.memory_space<vmem_shared>> -> memref<640xf32, #tpu.memory_space<vmem_shared>>
      tpu.wait_dma2 semaphore(%run_scoped3A : memref<!tpu.dma_semaphore, #tpu.memory_space<semaphore_mem>>) src(%arg14 : memref<640xf32, #tpu.memory_space<vmem>>) dst(%dma_wait3A_95 : memref<640xf32, #tpu.memory_space<vmem_shared>>)
      tpu.yield
    }) : () -> ()
    %parallel_loop3A_70 = arith.constant 0 : i32
    %parallel_loop3A_71 = arith.constant 40 : i32
    %parallel_loop3A_72 = arith.constant 1 : i32
    scf.for %parallel_loop3A_92 = %parallel_loop3A_70 to %parallel_loop3A_71 step %parallel_loop3A_72  : i32 {
      %parallel_loop3A_93 = arith.constant 16 : i32
      %parallel_loop3A_94 = arith.muli %parallel_loop3A_92, %parallel_loop3A_93 : i32
      %parallel_loop3A_95 = arith.constant 0 : i32
      %parallel_loop3A_96 = arith.addi %parallel_loop3A_95, %parallel_loop3A_94 : i32
      %parallel_loop3A_97 = arith.index_cast %parallel_loop3A_96 : i32 to index
      %parallel_loop3A_98 = tpu.vector_load %arg14[%parallel_loop3A_97] {strides = array<i32>} : memref<640xf32, #tpu.memory_space<vmem>>, vector<16xf32>,
      tpu.vector_store %arg14[%parallel_loop3A_97], %broadcast_in_dim3A_33 {strides = array<i32>} : memref<640xf32, #tpu.memory_space<vmem>>, vector<16xf32>,
    } {sc.loop_unroll_factor = 8 : i64, sc.parallel_access}
    "tpu.region"() ({
      %run_scoped3A = tpu.sem_alloc : memref<!tpu.dma_semaphore, #tpu.memory_space<semaphore_mem>>
      %dma_start3A_92 = tpu.memref_slice %arg16[%mul3A_2] : memref<10240xf32, #tpu.memory_space<vmem_shared>> -> memref<640xf32, #tpu.memory_space<vmem_shared>>
      %dma_start3A_93 = tpu.memref_slice %arg16[%mul3A_2] : memref<10240xf32, #tpu.memory_space<vmem_shared>> -> memref<640xf32, #tpu.memory_space<vmem_shared>>
      tpu.enqueue_dma source(%arg14 : memref<640xf32, #tpu.memory_space<vmem>>) target(%dma_start3A_93 : memref<640xf32, #tpu.memory_space<vmem_shared>>) target_semaphore(%run_scoped3A : memref<!tpu.dma_semaphore, #tpu.memory_space<semaphore_mem>>)
      %dma_wait3A_94 = tpu.memref_slice %arg16[%mul3A_2] : memref<10240xf32, #tpu.memory_space<vmem_shared>> -> memref<640xf32, #tpu.memory_space<vmem_shared>>
      %dma_wait3A_95 = tpu.memref_slice %arg16[%mul3A_2] : memref<10240xf32, #tpu.memory_space<vmem_shared>> -> memref<640xf32, #tpu.memory_space<vmem_shared>>
      tpu.wait_dma2 semaphore(%run_scoped3A : memref<!tpu.dma_semaphore, #tpu.memory_space<semaphore_mem>>) src(%arg14 : memref<640xf32, #tpu.memory_space<vmem>>) dst(%dma_wait3A_95 : memref<640xf32, #tpu.memory_space<vmem_shared>>)
      tpu.yield
    }) : () -> ()
    %barrier3A_73 = arith.constant 0 : index
    tpu.barrier barrier_id(%barrier3A_73)
    "tpu.region"() ({
      %run_scoped3A = tpu.sem_alloc : memref<!tpu.dma_semaphore, #tpu.memory_space<semaphore_mem>>
      %dma_start3A_92 = arith.constant 0 : i32
      %dma_start3A_93 = tpu.memref_slice %arg17[%dma_start3A_92] : memref<10240xf32, #tpu.memory_space<vmem_shared>> -> memref<10240xf32, #tpu.memory_space<vmem_shared>>
      tpu.enqueue_indirect_dma source(%dma_start3A_93 : memref<10240xf32, #tpu.memory_space<vmem_shared>>) target(%arg10 : memref<10000xf32, #tpu.memory_space<vmem>>) offsets(%arg7 : memref<10000xi32, #tpu.memory_space<vmem>>) semaphore(%run_scoped3A : memref<!tpu.dma_semaphore, #tpu.memory_space<semaphore_mem>>)
      %dma_wait3A_94 = arith.constant 0 : i32
      %dma_wait3A_95 = tpu.memref_slice %arg17[%dma_wait3A_94] : memref<10240xf32, #tpu.memory_space<vmem_shared>> -> memref<10240xf32, #tpu.memory_space<vmem_shared>>
      tpu.wait_indirect_dma semaphore(%run_scoped3A : memref<!tpu.dma_semaphore, #tpu.memory_space<semaphore_mem>>) src(%dma_wait3A_95 : memref<10240xf32, #tpu.memory_space<vmem_shared>>) dst(%arg10 : memref<10000xf32, #tpu.memory_space<vmem>>)
      tpu.yield
    }) : () -> ()
    "tpu.region"() ({
      %run_scoped3A = tpu.sem_alloc : memref<!tpu.dma_semaphore, #tpu.memory_space<semaphore_mem>>
      %dma_start3A_92 = arith.constant 0 : i32
      %dma_start3A_93 = tpu.memref_slice %arg16[%dma_start3A_92] : memref<10240xf32, #tpu.memory_space<vmem_shared>> -> memref<10240xf32, #tpu.memory_space<vmem_shared>>
      tpu.enqueue_indirect_dma source(%arg10 : memref<10000xf32, #tpu.memory_space<vmem>>) target(%dma_start3A_93 : memref<10240xf32, #tpu.memory_space<vmem_shared>>) offsets(%arg8 : memref<10000xi32, #tpu.memory_space<vmem>>) semaphore(%run_scoped3A : memref<!tpu.dma_semaphore, #tpu.memory_space<semaphore_mem>>) {add = true}
      %dma_wait3A_94 = arith.constant 0 : i32
      %dma_wait3A_95 = tpu.memref_slice %arg16[%dma_wait3A_94] : memref<10240xf32, #tpu.memory_space<vmem_shared>> -> memref<10240xf32, #tpu.memory_space<vmem_shared>>
      tpu.wait_indirect_dma semaphore(%run_scoped3A : memref<!tpu.dma_semaphore, #tpu.memory_space<semaphore_mem>>) src(%arg10 : memref<10000xf32, #tpu.memory_space<vmem>>) dst(%dma_wait3A_95 : memref<10240xf32, #tpu.memory_space<vmem_shared>>)
      tpu.yield
    }) : () -> ()
    %barrier3A_74 = arith.constant 0 : index
    tpu.barrier barrier_id(%barrier3A_74)
    "tpu.region"() ({
      %run_scoped3A = tpu.sem_alloc : memref<!tpu.dma_semaphore, #tpu.memory_space<semaphore_mem>>
      %dma_start3A_92 = tpu.memref_slice %arg16[%mul3A_2] : memref<10240xf32, #tpu.memory_space<vmem_shared>> -> memref<640xf32, #tpu.memory_space<vmem_shared>>
      %dma_start3A_93 = tpu.memref_slice %arg16[%mul3A_2] : memref<10240xf32, #tpu.memory_space<vmem_shared>> -> memref<640xf32, #tpu.memory_space<vmem_shared>>
      tpu.enqueue_dma source(%dma_start3A_93 : memref<640xf32, #tpu.memory_space<vmem_shared>>) target(%arg13 : memref<640xf32, #tpu.memory_space<vmem>>) target_semaphore(%run_scoped3A : memref<!tpu.dma_semaphore, #tpu.memory_space<semaphore_mem>>)
      %dma_wait3A_94 = tpu.memref_slice %arg16[%mul3A_2] : memref<10240xf32, #tpu.memory_space<vmem_shared>> -> memref<640xf32, #tpu.memory_space<vmem_shared>>
      %dma_wait3A_95 = tpu.memref_slice %arg16[%mul3A_2] : memref<10240xf32, #tpu.memory_space<vmem_shared>> -> memref<640xf32, #tpu.memory_space<vmem_shared>>
      tpu.wait_dma2 semaphore(%run_scoped3A : memref<!tpu.dma_semaphore, #tpu.memory_space<semaphore_mem>>) src(%dma_wait3A_95 : memref<640xf32, #tpu.memory_space<vmem_shared>>) dst(%arg13 : memref<640xf32, #tpu.memory_space<vmem>>)
      tpu.yield
    }) : () -> ()
    %get3A = arith.constant 0 : index
    %get3A_75 = tpu.vector_load %arg15[%get3A] {strides = array<i32>} : memref<48xf32, #tpu.memory_space<vmem>>, vector<16xf32>,
    %get3A_76 = arith.constant 16 : index
    %get3A_77 = tpu.vector_load %arg15[%get3A_76] {strides = array<i32>} : memref<48xf32, #tpu.memory_space<vmem>>, vector<16xf32>,
    %get3A_78 = arith.constant 32 : index
    %get3A_79 = tpu.vector_load %arg15[%get3A_78] {strides = array<i32>} : memref<48xf32, #tpu.memory_space<vmem>>, vector<16xf32>,
    %parallel_loop3A_80 = arith.constant 0 : i32
    %parallel_loop3A_81 = arith.constant 40 : i32
    %parallel_loop3A_82 = arith.constant 1 : i32
    scf.for %parallel_loop3A_92 = %parallel_loop3A_80 to %parallel_loop3A_81 step %parallel_loop3A_82  : i32 {
      %parallel_loop3A_93 = arith.constant 16 : i32
      %parallel_loop3A_94 = arith.muli %parallel_loop3A_92, %parallel_loop3A_93 : i32
      %parallel_loop3A_95 = arith.index_cast %parallel_loop3A_94 : i32 to index
      %parallel_loop3A_96 = tpu.vector_load %arg11[%parallel_loop3A_95] {strides = array<i32>} : memref<640xf32, #tpu.memory_space<vmem>>, vector<16xf32>,
      %parallel_loop3A_97 = arith.index_cast %parallel_loop3A_94 : i32 to index
      %parallel_loop3A_98 = tpu.vector_load %arg12[%parallel_loop3A_97] {strides = array<i32>} : memref<640xf32, #tpu.memory_space<vmem>>, vector<16xf32>,
      %parallel_loop3A_99 = arith.mulf %parallel_loop3A_96, %parallel_loop3A_98 : vector<16xf32>
      %parallel_loop3A_100 = arith.index_cast %parallel_loop3A_94 : i32 to index
      %parallel_loop3A_101 = tpu.vector_load %arg11[%parallel_loop3A_100] {strides = array<i32>} : memref<640xf32, #tpu.memory_space<vmem>>, vector<16xf32>,
      %parallel_loop3A_102 = arith.mulf %get3A_75, %parallel_loop3A_101 : vector<16xf32>
      %parallel_loop3A_103 = arith.index_cast %parallel_loop3A_94 : i32 to index
      %parallel_loop3A_104 = tpu.vector_load %arg12[%parallel_loop3A_103] {strides = array<i32>} : memref<640xf32, #tpu.memory_space<vmem>>, vector<16xf32>,
      %parallel_loop3A_105 = arith.index_cast %parallel_loop3A_94 : i32 to index
      %parallel_loop3A_106 = tpu.vector_load %arg13[%parallel_loop3A_105] {strides = array<i32>} : memref<640xf32, #tpu.memory_space<vmem>>, vector<16xf32>,
      %parallel_loop3A_107 = arith.addf %parallel_loop3A_106, %parallel_loop3A_99 : vector<16xf32>
      %parallel_loop3A_108 = arith.mulf %parallel_loop3A_104, %parallel_loop3A_107 : vector<16xf32>
      %parallel_loop3A_109 = arith.mulf %get3A_77, %parallel_loop3A_108 : vector<16xf32>
      %parallel_loop3A_110 = arith.addf %parallel_loop3A_102, %parallel_loop3A_109 : vector<16xf32>
      %parallel_loop3A_111 = arith.addf %parallel_loop3A_110, %get3A_79 : vector<16xf32>
      %parallel_loop3A_112 = arith.index_cast %parallel_loop3A_94 : i32 to index
      %parallel_loop3A_113 = tpu.vector_load %arg14[%parallel_loop3A_112] {strides = array<i32>} : memref<640xf32, #tpu.memory_space<vmem>>, vector<16xf32>,
      tpu.vector_store %arg14[%parallel_loop3A_112], %parallel_loop3A_111 {strides = array<i32>} : memref<640xf32, #tpu.memory_space<vmem>>, vector<16xf32>,
    } {sc.loop_unroll_factor = 8 : i64, sc.parallel_access}
    %lt3A = arith.constant 15 : i32
    %lt3A_83 = arith.cmpi slt, %arg1, %lt3A : i32
    %convert_element_type3A_84 = arith.extui %lt3A_83 : i1 to i32
    %cond3A_85 = arith.constant 0 : i32
    %cond3A_86 = arith.cmpi ne, %convert_element_type3A_84, %cond3A_85 : i32
    scf.if %cond3A_86 {
      "tpu.region"() ({
        %run_scoped3A = tpu.sem_alloc : memref<!tpu.dma_semaphore, #tpu.memory_space<semaphore_mem>>
        %dma_start3A_92 = tpu.memref_slice %arg6[%mul3A_2] : memref<10000xf32, #tpu.memory_space<hbm>> -> memref<640xf32, #tpu.memory_space<hbm>>
        %dma_start3A_93 = tpu.memref_slice %arg6[%mul3A_2] : memref<10000xf32, #tpu.memory_space<hbm>> -> memref<640xf32, #tpu.memory_space<hbm>>
        tpu.enqueue_dma source(%arg14 : memref<640xf32, #tpu.memory_space<vmem>>) target(%dma_start3A_93 : memref<640xf32, #tpu.memory_space<hbm>>) target_semaphore(%run_scoped3A : memref<!tpu.dma_semaphore, #tpu.memory_space<semaphore_mem>>)
        %dma_wait3A_94 = tpu.memref_slice %arg6[%mul3A_2] : memref<10000xf32, #tpu.memory_space<hbm>> -> memref<640xf32, #tpu.memory_space<hbm>>
        %dma_wait3A_95 = tpu.memref_slice %arg6[%mul3A_2] : memref<10000xf32, #tpu.memory_space<hbm>> -> memref<640xf32, #tpu.memory_space<hbm>>
        tpu.wait_dma2 semaphore(%run_scoped3A : memref<!tpu.dma_semaphore, #tpu.memory_space<semaphore_mem>>) src(%arg14 : memref<640xf32, #tpu.memory_space<vmem>>) dst(%dma_wait3A_95 : memref<640xf32, #tpu.memory_space<hbm>>)
        tpu.yield
      }) : () -> ()
    } else {
    }
    %eq3A_87 = arith.constant 15 : i32
    %eq3A_88 = arith.cmpi eq, %arg1, %eq3A_87 : i32
    %convert_element_type3A_89 = arith.extui %eq3A_88 : i1 to i32
    %cond3A_90 = arith.constant 0 : i32
    %cond3A_91 = arith.cmpi ne, %convert_element_type3A_89, %cond3A_90 : i32
    scf.if %cond3A_91 {
      "tpu.region"() ({
        %run_scoped3A = tpu.sem_alloc : memref<!tpu.dma_semaphore, #tpu.memory_space<semaphore_mem>>
        %dma_start3A_92 = arith.constant 0 : i32
        %dma_start3A_93 = tpu.memref_slice %arg14[%dma_start3A_92] : memref<640xf32, #tpu.memory_space<vmem>> -> memref<400xf32, #tpu.memory_space<vmem>>
        %dma_start3A_94 = arith.constant 9600 : i32
        %dma_start3A_95 = tpu.memref_slice %arg6[%dma_start3A_94] : memref<10000xf32, #tpu.memory_space<hbm>> -> memref<400xf32, #tpu.memory_space<hbm>>
        %dma_start3A_96 = arith.constant 9600 : i32
        %dma_start3A_97 = tpu.memref_slice %arg6[%dma_start3A_96] : memref<10000xf32, #tpu.memory_space<hbm>> -> memref<400xf32, #tpu.memory_space<hbm>>
        %dma_start3A_98 = arith.constant 0 : i32
        %dma_start3A_99 = tpu.memref_slice %arg14[%dma_start3A_98] : memref<640xf32, #tpu.memory_space<vmem>> -> memref<400xf32, #tpu.memory_space<vmem>>
        tpu.enqueue_dma source(%dma_start3A_99 : memref<400xf32, #tpu.memory_space<vmem>>) target(%dma_start3A_97 : memref<400xf32, #tpu.memory_space<hbm>>) target_semaphore(%run_scoped3A : memref<!tpu.dma_semaphore, #tpu.memory_space<semaphore_mem>>)
        %dma_wait3A_100 = arith.constant 0 : i32
        %dma_wait3A_101 = tpu.memref_slice %arg14[%dma_wait3A_100] : memref<640xf32, #tpu.memory_space<vmem>> -> memref<400xf32, #tpu.memory_space<vmem>>
        %dma_wait3A_102 = arith.constant 9600 : i32
        %dma_wait3A_103 = tpu.memref_slice %arg6[%dma_wait3A_102] : memref<10000xf32, #tpu.memory_space<hbm>> -> memref<400xf32, #tpu.memory_space<hbm>>
        %dma_wait3A_104 = arith.constant 9600 : i32
        %dma_wait3A_105 = tpu.memref_slice %arg6[%dma_wait3A_104] : memref<10000xf32, #tpu.memory_space<hbm>> -> memref<400xf32, #tpu.memory_space<hbm>>
        %dma_wait3A_106 = arith.constant 0 : i32
        %dma_wait3A_107 = tpu.memref_slice %arg14[%dma_wait3A_106] : memref<640xf32, #tpu.memory_space<vmem>> -> memref<400xf32, #tpu.memory_space<vmem>>
        tpu.wait_dma2 semaphore(%run_scoped3A : memref<!tpu.dma_semaphore, #tpu.memory_space<semaphore_mem>>) src(%dma_wait3A_107 : memref<400xf32, #tpu.memory_space<vmem>>) dst(%dma_wait3A_105 : memref<400xf32, #tpu.memory_space<hbm>>)
        tpu.yield
      }) : () -> ()
    } else {
    }
    return
  }
}

module attributes {stable_mosaic.version = 14 : i64} {
  func.func @_prep_tc(%arg0: i32, %arg1: memref<5120x256xf32, #tpu.memory_space<vmem>>, %arg2: memref<1x256xf32, #tpu.memory_space<vmem>>, %arg3: memref<4xf32, #tpu.memory_space<vmem>>, %arg4: memref<1xf32, #tpu.memory_space<vmem>>, %arg5: memref<2x81920xi32, #tpu.memory_space<vmem>>, %arg6: memref<5120xf32, #tpu.memory_space<vmem>>, %arg7: memref<48xf32, #tpu.memory_space<vmem>>, %arg8: memref<81920xi32, #tpu.memory_space<vmem>>, %arg9: memref<81920xi32, #tpu.memory_space<vmem>>) attributes {dimension_semantics = [#tpu.dimension_semantics<arbitrary>], iteration_bounds = array<i64: 2>, scalar_prefetch = 0 : i64, scratch_operands = 0 : i64, tpu.core_type = #tpu.core_type<tc>, window_params = [{transform_indices = @transform_0, window_bounds = array<i64: 5120, 256>}, {pipeline_mode = #tpu.pipeline_mode<synchronous>, transform_indices = @transform_1, window_bounds = array<i64: 1, 256>}, {pipeline_mode = #tpu.pipeline_mode<synchronous>, transform_indices = @transform_2, window_bounds = array<i64: 4>}, {pipeline_mode = #tpu.pipeline_mode<synchronous>, transform_indices = @transform_3, window_bounds = array<i64: 1>}, {transform_indices = @transform_4, window_bounds = array<i64: 2, 81920>}, {transform_indices = @transform_5, window_bounds = array<i64: 5120>}, {pipeline_mode = #tpu.pipeline_mode<synchronous>, transform_indices = @transform_6, window_bounds = array<i64: 48>}, {transform_indices = @transform_7, window_bounds = array<i64: 81920>}, {transform_indices = @transform_8, window_bounds = array<i64: 81920>}]} {
    %get3A = arith.constant 0 : index
    %get3A_0 = arith.constant 0 : index
    %get3A_1 = vector.load %arg2[%get3A, %get3A_0] : memref<1x256xf32, #tpu.memory_space<vmem>>, vector<1x256xf32>
    %get3A_2 = arith.constant 0 : index
    %get3A_3 = arith.constant 0 : index
    %get3A_4 = vector.load %arg1[%get3A_2, %get3A_3] : memref<5120x256xf32, #tpu.memory_space<vmem>>, vector<5120x256xf32>
    %dot_general3A = arith.constant dense<0.000000e+00> : vector<1x5120xf32>
    %dot_general3A_5 = tpu.matmul %get3A_1, %get3A_4, %dot_general3A {dimension_numbers = #tpu.dot_dimension_numbers<[1], [1], [0], [0], [0, 0, 1, 0], [], []>, transpose_lhs_hint = false} : vector<1x256xf32>, vector<5120x256xf32>, vector<1x5120xf32> -> vector<1x5120xf32>
    %squeeze3A = vector.shape_cast %dot_general3A_5 : vector<1x5120xf32> to vector<5120xf32>
    %swap3A = arith.constant 0 : index
    %swap3A_6 = vector.load %arg6[%swap3A] : memref<5120xf32, #tpu.memory_space<vmem>>, vector<5120xf32>
    tpu.vector_store %arg6[%swap3A], %squeeze3A {strides = array<i32>} : memref<5120xf32, #tpu.memory_space<vmem>>, vector<5120xf32>,
    %get3A_7 = arith.constant 0 : index
    %get3A_8 = arith.constant 0 : index
    %get3A_9 = vector.load %arg5[%get3A_7, %get3A_8] : memref<2x81920xi32, #tpu.memory_space<vmem>>, vector<1x81920xi32>
    %get3A_10 = vector.shape_cast %get3A_9 : vector<1x81920xi32> to vector<81920xi32>
    %swap3A_11 = arith.constant 0 : index
    %swap3A_12 = vector.load %arg8[%swap3A_11] : memref<81920xi32, #tpu.memory_space<vmem>>, vector<81920xi32>
    tpu.vector_store %arg8[%swap3A_11], %get3A_10 {strides = array<i32>} : memref<81920xi32, #tpu.memory_space<vmem>>, vector<81920xi32>,
    %get3A_13 = arith.constant 1 : index
    %get3A_14 = arith.constant 0 : index
    %get3A_15 = vector.load %arg5[%get3A_13, %get3A_14] : memref<2x81920xi32, #tpu.memory_space<vmem>>, vector<1x81920xi32>
    %get3A_16 = vector.shape_cast %get3A_15 : vector<1x81920xi32> to vector<81920xi32>
    %swap3A_17 = arith.constant 0 : index
    %swap3A_18 = vector.load %arg9[%swap3A_17] : memref<81920xi32, #tpu.memory_space<vmem>>, vector<81920xi32>
    tpu.vector_store %arg9[%swap3A_17], %get3A_16 {strides = array<i32>} : memref<81920xi32, #tpu.memory_space<vmem>>, vector<81920xi32>,
    %eq3A = arith.constant 0 : i32
    %eq3A_19 = arith.cmpi eq, %arg0, %eq3A : i32
    %convert_element_type3A = arith.extui %eq3A_19 : i1 to i32
    %cond3A = arith.constant 0 : i32
    %cond3A_20 = arith.cmpi ne, %convert_element_type3A, %cond3A : i32
    scf.if %cond3A_20 {
      %get3A_21 = arith.constant 0 : index
      %get3A_22 = vector.load %arg3[%get3A_21] : memref<4xf32, #tpu.memory_space<vmem>>, vector<4xf32>
      %reduce_max3A = vector.shape_cast %get3A_22 : vector<4xf32> to vector<1x4xf32>
      %reduce_max3A_23 = arith.constant dense<0xFF800000> : vector<1xf32>
      %reduce_max3A_24 = vector.multi_reduction <maximumf>, %reduce_max3A, %reduce_max3A_23 [1] : vector<1x4xf32> to vector<1xf32>
      %reduce_max3A_25 = vector.shape_cast %reduce_max3A_24 : vector<1xf32> to vector<1x1xf32>
      %reduce_max3A_26 = vector.extract %reduce_max3A_25[0, 0] : f32 from vector<1x1xf32>
      %max3A = arith.constant 0xFF800000 : f32
      %max3A_27 = arith.maximumf %max3A, %reduce_max3A_26 : f32
      %broadcast_in_dim3A = vector.broadcast %max3A_27 : f32 to vector<1xf32>
      %sub3A = vector.broadcast %broadcast_in_dim3A : vector<1xf32> to vector<4xf32>
      %sub3A_28 = arith.subf %get3A_22, %sub3A : vector<4xf32>
      %exp3A = math.exp %sub3A_28 : vector<4xf32>
      %reduce_sum3A = vector.shape_cast %exp3A : vector<4xf32> to vector<1x4xf32>
      %reduce_sum3A_29 = arith.constant dense<0.000000e+00> : vector<1xf32>
      %reduce_sum3A_30 = vector.multi_reduction <add>, %reduce_sum3A, %reduce_sum3A_29 [1] : vector<1x4xf32> to vector<1xf32>
      %reduce_sum3A_31 = vector.shape_cast %reduce_sum3A_30 : vector<1xf32> to vector<1x1xf32>
      %reduce_sum3A_32 = vector.extract %reduce_sum3A_31[0, 0] : f32 from vector<1x1xf32>
      %broadcast_in_dim3A_33 = vector.broadcast %reduce_sum3A_32 : f32 to vector<1xf32>
      %div3A = vector.broadcast %broadcast_in_dim3A_33 : vector<1xf32> to vector<4xf32>
      %div3A_34 = arith.divf %exp3A, %div3A : vector<4xf32>
      %slice3A = vector.extract_strided_slice %div3A_34 {offsets = [0], sizes = [1], strides = [1]} : vector<4xf32> to vector<1xf32>
      %squeeze3A_35 = vector.extract %slice3A[0] : f32 from vector<1xf32>
      %mul3A = arith.constant 1.000000e+00 : f32
      %mul3A_36 = arith.mulf %mul3A, %squeeze3A_35 : f32
      %add3A = arith.constant 0.000000e+00 : f32
      %add3A_37 = arith.addf %add3A, %mul3A_36 : f32
      %slice3A_38 = vector.extract_strided_slice %div3A_34 {offsets = [1], sizes = [1], strides = [1]} : vector<4xf32> to vector<1xf32>
      %squeeze3A_39 = vector.extract %slice3A_38[0] : f32 from vector<1xf32>
      %mul3A_40 = arith.constant 0.000000e+00 : f32
      %mul3A_41 = arith.mulf %mul3A_40, %squeeze3A_39 : f32
      %add3A_42 = arith.addf %add3A_37, %mul3A_41 : f32
      %slice3A_43 = vector.extract_strided_slice %div3A_34 {offsets = [2], sizes = [1], strides = [1]} : vector<4xf32> to vector<1xf32>
      %squeeze3A_44 = vector.extract %slice3A_43[0] : f32 from vector<1xf32>
      %mul3A_45 = arith.constant -1.000000e+00 : f32
      %mul3A_46 = arith.mulf %mul3A_45, %squeeze3A_44 : f32
      %add3A_47 = arith.addf %add3A_42, %mul3A_46 : f32
      %slice3A_48 = vector.extract_strided_slice %div3A_34 {offsets = [3], sizes = [1], strides = [1]} : vector<4xf32> to vector<1xf32>
      %squeeze3A_49 = vector.extract %slice3A_48[0] : f32 from vector<1xf32>
      %mul3A_50 = arith.constant -2.000000e+00 : f32
      %mul3A_51 = arith.mulf %mul3A_50, %squeeze3A_49 : f32
      %add3A_52 = arith.addf %add3A_47, %mul3A_51 : f32
      %slice3A_53 = vector.extract_strided_slice %div3A_34 {offsets = [0], sizes = [1], strides = [1]} : vector<4xf32> to vector<1xf32>
      %squeeze3A_54 = vector.extract %slice3A_53[0] : f32 from vector<1xf32>
      %mul3A_55 = arith.constant 0.000000e+00 : f32
      %mul3A_56 = arith.mulf %mul3A_55, %squeeze3A_54 : f32
      %add3A_57 = arith.constant 0.000000e+00 : f32
      %add3A_58 = arith.addf %add3A_57, %mul3A_56 : f32
      %slice3A_59 = vector.extract_strided_slice %div3A_34 {offsets = [1], sizes = [1], strides = [1]} : vector<4xf32> to vector<1xf32>
      %squeeze3A_60 = vector.extract %slice3A_59[0] : f32 from vector<1xf32>
      %mul3A_61 = arith.constant 1.000000e+00 : f32
      %mul3A_62 = arith.mulf %mul3A_61, %squeeze3A_60 : f32
      %add3A_63 = arith.addf %add3A_58, %mul3A_62 : f32
      %slice3A_64 = vector.extract_strided_slice %div3A_34 {offsets = [2], sizes = [1], strides = [1]} : vector<4xf32> to vector<1xf32>
      %squeeze3A_65 = vector.extract %slice3A_64[0] : f32 from vector<1xf32>
      %mul3A_66 = arith.constant 2.000000e+00 : f32
      %mul3A_67 = arith.mulf %mul3A_66, %squeeze3A_65 : f32
      %add3A_68 = arith.addf %add3A_63, %mul3A_67 : f32
      %slice3A_69 = vector.extract_strided_slice %div3A_34 {offsets = [3], sizes = [1], strides = [1]} : vector<4xf32> to vector<1xf32>
      %squeeze3A_70 = vector.extract %slice3A_69[0] : f32 from vector<1xf32>
      %mul3A_71 = arith.constant 3.000000e+00 : f32
      %mul3A_72 = arith.mulf %mul3A_71, %squeeze3A_70 : f32
      %add3A_73 = arith.addf %add3A_68, %mul3A_72 : f32
      %get3A_74 = arith.constant 0 : index
      %get3A_75 = vector.load %arg4[%get3A_74] : memref<1xf32, #tpu.memory_space<vmem>>, vector<1xf32>
      %get3A_76 = vector.extract %get3A_75[0] : f32 from vector<1xf32>
      %broadcast_in_dim3A_77 = vector.broadcast %add3A_52 : f32 to vector<16xf32>
      %broadcast_in_dim3A_78 = vector.broadcast %add3A_73 : f32 to vector<16xf32>
      %broadcast_in_dim3A_79 = vector.broadcast %get3A_76 : f32 to vector<16xf32>
      %concatenate3A = tpu.concatenate %broadcast_in_dim3A_77, %broadcast_in_dim3A_78, %broadcast_in_dim3A_79 in 0 : vector<16xf32>, vector<16xf32>, vector<16xf32> -> vector<48xf32>
      %swap3A_80 = arith.constant 0 : index
      %swap3A_81 = vector.load %arg7[%swap3A_80] : memref<48xf32, #tpu.memory_space<vmem>>, vector<48xf32>
      tpu.vector_store %arg7[%swap3A_80], %concatenate3A {strides = array<i32>} : memref<48xf32, #tpu.memory_space<vmem>>, vector<48xf32>,
    } else {
    }
    return
  }
  func.func @transform_0(%arg0: i32) -> (i32, i32) {
    %c0_i32 = arith.constant 0 : i32
    %c0_i32_0 = arith.constant 0 : i32
    return %arg0, %c0_i32 : i32, i32
  }
  func.func @transform_1(%arg0: i32) -> (i32, i32) {
    %c0_i32 = arith.constant 0 : i32
    %c0_i32_0 = arith.constant 0 : i32
    %c0_i32_1 = arith.constant 0 : i32
    return %c0_i32, %c0_i32_0 : i32, i32
  }
  func.func @transform_2(%arg0: i32) -> i32 {
    %c0_i32 = arith.constant 0 : i32
    %c0_i32_0 = arith.constant 0 : i32
    return %c0_i32 : i32
  }
  func.func @transform_3(%arg0: i32) -> i32 {
    %c0_i32 = arith.constant 0 : i32
    %c0_i32_0 = arith.constant 0 : i32
    return %c0_i32 : i32
  }
  func.func @transform_4(%arg0: i32) -> (i32, i32) {
    %c0_i32 = arith.constant 0 : i32
    %c0_i32_0 = arith.constant 0 : i32
    return %c0_i32, %arg0 : i32, i32
  }
  func.func @transform_5(%arg0: i32) -> i32 {
    %c0_i32 = arith.constant 0 : i32
    return %arg0 : i32
  }
  func.func @transform_6(%arg0: i32) -> i32 {
    %c0_i32 = arith.constant 0 : i32
    %c0_i32_0 = arith.constant 0 : i32
    return %c0_i32 : i32
  }
  func.func @transform_7(%arg0: i32) -> i32 {
    %c0_i32 = arith.constant 0 : i32
    return %arg0 : i32
  }
  func.func @transform_8(%arg0: i32) -> i32 {
    %c0_i32 = arith.constant 0 : i32
    return %arg0 : i32
  }
}

</mosaic_0001>

<sc_bundles>
// kernel: kernel.4.cloned.1.call-start
scs
__scs_entry_jumppad:
0x0: {  	(pc) =	sbr.rel $0x88, $3  }
0x1: {  	(tag) =	ssettag $0x0;
	lr =	simm.s32 $0x1  }
0x2: {  	[smem:$0x3F9C] =	sst lr;
	_ =	strace $0xD0000000  }
0x3: {  	_ = 	snop  }
0x4: {  	_ = 	snop  }
0x5: {  	_ = 	snop  }
0x6: {  	_ = 	snop  }
0x7: {  	_ = 	snop  }
__scs_overlays_trampoline_lowered:
0x8: {  	[smem:$0x3FAB] =	sst s0  }
0x9: {  	[smem:$0x3FAC] =	sst s1  }
0xa: {  	[smem:$0x3FAD] =	sst s2  }
0xb: {  	[smem:$0x3FAE] =	sst s3  }
0xc: {  	[smem:$0x3FAF] =	sst s4  }
0xd: {  	[smem:$0x3FB0] =	sst s5  }
0xe: {  	[smem:$0x3FB1] =	sst s6  }
0xf: {  	[smem:$0x3FB2] =	sst s7  }
0x10: {  	[smem:$0x3FB3] =	sst s8  }
0x11: {  	[smem:$0x3FB4] =	sst s9;
	s0 =	simm.s32 @!p0 $0x0  }
0x12: {  	s1 =	sld [smem:$0x3F9A];
	s0 =	simm.s32 @p0 $0x1  }
0x13: {  	[smem:$0x3FB5] =	sst s0;
	s0 =	simm.s32 @!p1 $0x0  }
0x14: {  	s2 =	sld [smem:$0x3F99];
	s0 =	simm.s32 @p1 $0x1  }
0x15: {  	[smem:$0x3FB6] =	sst s0;
	s0 =	simm.s32 @!p2 $0x0  }
0x16: {  	s3 =	sld [smem:$0x3FDB];
	s0 =	simm.s32 @p2 $0x1  }
0x17: {  	s4 =	simm.s32 $0x1BF5;
	[smem:$0x3FB8] =	sst s0  }
0x18: {  	s0 =	sld [smem:$0x3F9B];
	_ =	swait.ge [sflag:s4], $0x0  }
0x19: {  	s7 =	sld [smem:$0x3F9C]  }
0x1a: {  	s8 =	sadd.s32 $0xFFFFE003, lr  }
0x1b: {  	s9 =	sadd.s32 $0xFFFFFEF7, lr;
	s5 =	simm.s32 $0xFFFFFFFF;
	p2 =	slt.u32 s8, $0xFFFFF086  }
0x1c: {  	p1 =	slt.u32 s9, $0xF7A;
	s5 =	simm.s32 @!p2 $0x0  }
0x1d: {  	s5 =	simm.s32 @p1 $0x1;
	p0 =	seq.s32 s7, s2  }
0x1e: {  	s7 =	smul.u32 @!p0 $0xF7A, s2;
	p2 =	seq.s32 @!p0 s5, $0x0  }
0x1f: {  	s9 =	smul.u32 $0xF7A, s1;
	s8 =	simm.s32 @!p0 $0x1BF5;
	p2 =	por !p2, p0  }
0x20: {  	[sflag:s8] =	ssyncset.s32 @!p0 $0xFFFFF086;
	s6 =	sadd.s32 @!p0 s3, s7;
	s7 =	simm.s32 @!p0 $0x108  }
0x21: {  	s3 =	sadd.s32 s3, s9;
	s6 =	sadd.s32 @!p0 $0x88, s6;
	s7 =	simm.s32 @p2 $0x1082  }
0x22: {  	[simem:s7], [sflag:s8] =	dma.local @!p0 [hbm:s6], $0xF7A  }
0x23: {  	s9 =	sor.u32 $0xD0000000, s2;
	s6 =	simm.s32 $0x108;
	_ =	swait.ge @!p0 [sflag:s8], $0x0  }
0x24: {  	s3 =	sadd.s32 $0x88, s3;
	s6 =	simm.s32 @!p1 $0x1082;
	[sflag:s4] =	ssyncset.s32 $0xFFFFF086  }
0x25: {  	[simem:s6], [sflag:s4] =	dma.local [hbm:s3], $0xF7A  }
0x26: {  	[smem:$0x3F9C] =	sst s1;
	(tag) =	ssettag s2;
	_ =	strace s9  }
0x27: {  	s1 =	sld [smem:$0x3FAC]  }
0x28: {  	s2 =	sld [smem:$0x3FAD]  }
0x29: {  	s4 =	sld [smem:$0x3FAF]  }
0x2a: {  	p0 =	seq.s32 s5, $0x0;
	s5 =	sld [smem:$0x3FB0]  }
0x2b: {  	s6 =	sld [smem:$0x3FB1]  }
0x2c: {  	s7 =	sld [smem:$0x3FB2]  }
0x2d: {  	s3 =	simm.s32 $0x108;
	s8 =	sld [smem:$0x3FB3]  }
0x2e: {  	s3 =	simm.s32 @!p0 $0x1082;
	s9 =	sld [smem:$0x3FB4]  }
0x2f: {  	lr =	sadd.s32 s0, s3;
	s0 =	sld [smem:$0x3FAB]  }
0x30: {  	s3 =	sld [smem:$0x3FAE]  }
0x31: {  	[smem:$0x3FB7] =	sst s10  }
0x32: {  	s10 =	sld [smem:$0x3FB5];
	_ =	sdelay $0x3  }
0x33: {  	p0 =	seq.s32 s10, $0x1;
	s10 =	sld [smem:$0x3FB7];
	_ =	sdelay $0x3  }
0x34: {  	[smem:$0x3FB7] =	sst s10  }
0x35: {  	s10 =	sld [smem:$0x3FB6];
	_ =	sdelay $0x3  }
0x36: {  	p1 =	seq.s32 s10, $0x1;
	s10 =	sld [smem:$0x3FB7];
	_ =	sdelay $0x3  }
0x37: {  	[smem:$0x3FB7] =	sst s10  }
0x38: {  	s10 =	sld [smem:$0x3FB8]  }
0x39: {  	_ = 	snop;
	(pc) =	sbr.ind lr, $3  }
0x3a: {  	_ = 	snop  }
0x3b: {  	_ = 	snop  }
0x3c: {  	p2 =	seq.s32 s10, $0x1;
	s10 =	sld [smem:$0x3FB7]  }
0x3d: {  	_ =	shalt  }
0x3e: {  	_ =	shalt  }
0x3f: {  	_ =	shalt  }
0x40: {  	_ =	shalt  }
0x41: {  	_ =	shalt  }
0x42: {  	_ =	shalt  }
0x43: {  	_ =	shalt  }
0x44: {  	_ =	shalt  }
0x45: {  	_ =	shalt  }
0x46: {  	_ =	shalt  }
0x47: {  	_ =	shalt  }
0x48: {  	_ =	shalt  }
0x49: {  	_ =	shalt  }
0x4a: {  	_ =	shalt  }
0x4b: {  	_ =	shalt  }
0x4c: {  	_ =	shalt  }
0x4d: {  	_ =	shalt  }
0x4e: {  	_ =	shalt  }
0x4f: {  	_ =	shalt  }
0x50: {  	_ =	shalt  }
0x51: {  	_ =	shalt  }
0x52: {  	_ =	shalt  }
0x53: {  	_ =	shalt  }
0x54: {  	_ =	shalt  }
0x55: {  	_ =	shalt  }
0x56: {  	_ =	shalt  }
0x57: {  	_ =	shalt  }
0x58: {  	_ =	shalt  }
0x59: {  	_ =	shalt  }
0x5a: {  	_ =	shalt  }
0x5b: {  	_ =	shalt  }
0x5c: {  	_ =	shalt  }
0x5d: {  	_ =	shalt  }
0x5e: {  	_ =	shalt  }
0x5f: {  	_ =	shalt  }
0x60: {  	_ =	shalt  }
0x61: {  	_ =	shalt  }
0x62: {  	_ =	shalt  }
0x63: {  	_ =	shalt  }
0x64: {  	_ =	shalt  }
0x65: {  	_ =	shalt  }
0x66: {  	_ =	shalt  }
0x67: {  	_ =	shalt  }
0x68: {  	_ =	shalt  }
0x69: {  	_ =	shalt  }
0x6a: {  	_ =	shalt  }
0x6b: {  	_ =	shalt  }
0x6c: {  	_ =	shalt  }
0x6d: {  	_ =	shalt  }
0x6e: {  	_ =	shalt  }
0x6f: {  	_ =	shalt  }
0x70: {  	_ =	shalt  }
0x71: {  	_ =	shalt  }
0x72: {  	_ =	shalt  }
0x73: {  	_ =	shalt  }
0x74: {  	_ =	shalt  }
0x75: {  	_ =	shalt  }
0x76: {  	_ =	shalt  }
0x77: {  	_ =	shalt  }
0x78: {  	_ =	shalt  }
0x79: {  	_ =	shalt  }
0x7a: {  	_ =	shalt  }
0x7b: {  	_ =	shalt  }
0x7c: {  	_ =	shalt  }
0x7d: {  	_ =	shalt  }
0x7e: {  	_ =	shalt  }
0x7f: {  	_ =	shalt  }
0x80: {  	_ =	shalt  }
0x81: {  	_ =	shalt  }
0x82: {  	_ =	shalt  }
0x83: {  	_ =	shalt  }
0x84: {  	_ =	shalt  }
0x85: {  	_ =	shalt  }
0x86: {  	_ =	shalt  }
0x87: {  	_ =	shalt  }
.Lfunc_end0:
.L_simem_size_0:
called_computation_lowered:
.L_overlay_start_0:
0x88: {  	s0 =	sld [smem:$0x3FD9]  }
0x89: {  	s1 =	sld [smem:$0x3FFE];
	_ =	sdelay $0x3  }
0x8a: {  	s0 =	sadd.s32 s1, s0  }
0x8b: {  	[smem:$0x3FC3] =	sst s0  }
0x8c: {  	_ = 	snop  }
0x8d: {  	s0 =	sld [smem:$0x3FD0];
	(tm) =	ssettm $0x1  }
0x8e: {  	s16 =	sld [smem:$0x3FFB];
	_ =	sdelay $0x3  }
0x8f: {  	_ =	strace s16  }
0x90: {  	s1 =	sld [smem:$0x3FFC];
	_ =	sdelay $0x3  }
0x91: {  	_ =	strace s1  }
0x92: {  	s1 =	sld [smem:$0x3FFD];
	_ =	sdelay $0x3  }
0x93: {  	_ =	strace s1  }
0x94: {  	_ =	strace $0x8FFFFFFF  }
0x95: {  	s17 =	sld [smem:$0x3FDB];
	_ =	sdelay $0x1  }
0x96: {  	s2 =	simm.s32 $_scs_section_size  }
0x97: {  	s3 =	simm.s32 $_size__tile_overlayer_lowered;
	s4 =	simm.s32 $_tile_overlayer_lowered  }
0x98: {  	s20 =	simm.s32 $0x1BFF;
	s19 =	sshll.u32 s4, $0x1;
	s1 =	sadd.s32 s2, s17  }
0x99: {  	s5 =	simm.s32 $0x0;
	s18 =	sshll.u32 s3, $0x1;
	s3 =	sadd.s32 s19, s1  }
0x9a: {  	[timem:s5], [sflag:s20] =	dma.local [hbm:s3], s18  }
0x9b: {  	_ =	swait.ge [sflag:s20], s18  }
0x9c: {  	s2 =	ssub.s32 $0x0, s18;
	[sflag:s20] =	ssyncset.done $0x0  }
0x9d: {  	[sflag:s20] =	ssyncadd.s32 s2;
	_ =	sdelay $0x1  }
0x9e: {  	s21 =	simm.s32 $0x1B8B  }
0x9f: {  	_ =	swait.ge [sflag:s21], $0x1  }
0xa0: {  	[sflag:s21] =	ssyncset.done $0x0  }
0xa1: {  	s23 =	simm.s32 $0x1B8E;
	s22 =	sld [smem:$0x3FFE];
	[sflag:s21] =	ssyncadd.s32 $0xFFFFFFFF  }
0xa2: {  	s24 =	simm.s32 $execute0_lowered;
	[smem:$0x3FD2] =	sst s23  }
0xa3: {  	s3 =	sshll.u32 s24, $0x1;
	_ =	strace $0x80000046;
	[dreg:$0x1] =	wrdreg $0xFFFFFFFF  }
0xa4: {  	s25 =	simm.s32 $_size_execute0_lowered;
	s1 =	sadd.s32 s1, s3;
	[dreg:$0x0] =	wrdreg $0x0  }
0xa5: {  	s3 =	sshll.u32 s25, $0x1;
	[dreg:$0x2] =	wrdreg s1  }
0xa6: {  	[dreg:$0x3] =	wrdreg s3  }
0xa7: {  	[dreg:$0x4] =	wrdreg $0xC0  }
0xa8: {  	_ =	task [dreg:s5], $0x5FFFF  }
0xa9: {  	[dreg:$0x1] =	wrdreg $0xFFFFFFFF  }
0xaa: {  	[dreg:$0x0] =	wrdreg $0x60  }
0xab: {  	[dreg:$0x2] =	wrdreg s22  }
0xac: {  	[dreg:$0x3] =	wrdreg s0  }
0xad: {  	[dreg:$0x4] =	wrdreg $0xA8800  }
0xae: {  	[dreg:$0x5] =	wrdreg $0xAB000  }
0xaf: {  	[dreg:$0x6] =	wrdreg $0x9  }
0xb0: {  	_ =	task.clear_ibuf [dreg:s5], $0x7FFFF;
	_ =	strace $0x90000046  }
0xb1: {  	s26 =	simm.s32 $0x9;
	_ =	strace $0x80000048  }
0xb2: {  	_ =	swait.ge [sflag:s26], $0x1  }
0xb3: {  	[sflag:s26] =	ssyncadd.s32 $0xFFFFFFFF  }
0xb4: {  	_ =	strace $0x90000048  }
0xb5: {  	_ =	sfence  }
0xb6: {  	s28 =	sld [smem:$0x0];
	_ =	sdelay $0x1  }
0xb7: {  	s29 =	srdreg.scid  }
0xb8: {  	s30 =	sshll.u32 s29, $0xD;
	s31 =	sshrl.u32 s29, $0x2  }
0xb9: {  	s2 =	sand.u32 $0x4000, s30;
	s1 =	sand.u32 $0x1, s29;
	s0 =	sadd.s32 s31, s28  }
0xba: {  	s1 =	sor.u32 s2, s1;
	s0 =	sshll.u32 s0, $0x11  }
0xbb: {  	s0 =	sor.u32 s0, s1  }
0xbc: {  	s0 =	sadd.s32 $0x8F2B, s0  }
0xbd: {  	[sflag:s0] =	ssyncadd.remote.s32 $0x1  }
0xbe: {  	_ =	sfence.sel $0xFFFF  }
0xbf: {  	[dreg:$0x0] =	wrdreg $0xFFFFFFFF;
	(pc) =	sbr.abs _section_cstart, $3  }
0xc0: {  	[dreg:$0x1] =	wrdreg $0xFFFFFFFF  }
0xc1: {  	_ =	task.clear_ibuf [dreg:s5], $0x2FFFF;
	_ =	strace $0x9FFFFFFF  }
0xc2: {  	(tm) =	ssettm $0x7FFFFFFF  }
0xc3: {  	_ =	shalt  }
tec
execute0_lowered:
.L_overlay_start_1:
0x0: {  	(tag) =	ssettag $0x1  }
0x1: {  	s4 =	rddreg [dreg:$0x0]  }
0x2: {  	s6 =	rddreg [dreg:$0x1]  }
0x3: {  	s2 =	rddreg [dreg:$0x2]  }
0x4: {  	s3 =	rddreg [dreg:$0x3];
	s1 =	stileid.u32  }
0x5: {  	s0 =	rddreg [dreg:$0x4];
	s8 =	simm.s32 $0x0;
	s7 =	smul.u32 $0x2710, s1  }
0x6: {  	s25 =	simm.s32 $0x2780;
	[smem:$0x7FF] =	sst s8  }
0x7: {  	s9 =	sadd.s32 $0x1600, s4;
	s10 =	sadd.s32 $0x6600, s4;
	s11 =	sshrl.u32 s7, $0x3  }
0x8: {  	_ =	strace $0x80000047;
	s7 =	sadd.s32 $0x1388, s7;
	s12 =	sadd.s32 s9, s11  }
0x9: {  	[tilespmem:s8], [sflag:$0x1] =	stream.linear.gather [hbm4b:s12+s8], $0x1388, $0x38;
	[tilespmem:$0xAD80] =	vst v63  }
0xa: {  	s5 =	smul.u32 $0x280, s1;
	s11 =	sadd.s32 s10, s11;
	s24 =	sshrl.u32 s7, $0x3  }
0xb: {  	[tilespmem:s25], [sflag:$0x1] =	stream.linear.gather [hbm4b:s11+s8], $0x1388, $0x38;
	[tilespmem:$0xAD80] =	vst v63  }
0xc: {  	s26 =	simm.s32 $0x1388;
	s7 =	sshrl.u32 s5, $0x3;
	s9 =	sadd.s32 s9, s24  }
0xd: {  	[tilespmem:s26], [sflag:$0x2] =	stream.linear.gather [hbm4b:s9+s8], $0x1388, $0x38;
	[tilespmem:$0xAD80] =	vst v63  }
0xe: {  	s29 =	simm.s32 $0x3B08;
	s28 =	sadd.s32 s7, s4;
	s10 =	sadd.s32 s10, s24  }
0xf: {  	[tilespmem:s29], [sflag:$0x2] =	stream.linear.gather [hbm4b:s10+s8], $0x1388, $0x38;
	[tilespmem:$0xAD80] =	vst v63  }
0x10: {  	s30 =	simm.s32 $0x9E00;
	s9 =	sadd.s32 $0xB600, s28  }
0x11: {  	[tilespmem:s30], [sflag:$0x3] =	stream.linear.gather [hbm4b:s9+s8], $0x280, $0x38;
	[tilespmem:$0xAD80] =	vst v63  }
0x12: {  	s31 =	simm.s32 $0xA800;
	s4 =	sadd.s32 $0xBC00, s4  }
0x13: {  	[tilespmem:s31], [sflag:$0x3] =	stream.linear.gather [hbm4b:s4+s8], $0x80, $0x38;
	[tilespmem:$0xAD80] =	vst v63  }
0x14: {  	v0 =	vimm.f32 $0.0e+00;
	s4 =	simm.s32 $0xA5C0  }
0x15: {  	[tilespmem:s4+$0xFFFFFFC0] =	vst v0  }
0x16: {  	[tilespmem:s4+$0x30] =	vst v0  }
0x17: {  	[tilespmem:s4+$0x20] =	vst v0  }
0x18: {  	[tilespmem:s4+$0x10] =	vst v0  }
0x19: {  	[tilespmem:s4+$0x0] =	vst v0  }
0x1a: {  	[tilespmem:s4+$0xFFFFFFF0] =	vst v0  }
0x1b: {  	s8 =	simm.s32 $0x0;
	[tilespmem:s4+$0xFFFFFFE0] =	vst v0  }
.LBB2_1:
0x1c: {  	s8 =	sadd.s32 $0x8, s8;
	[tilespmem:s4+$0xFFFFFFD0] =	vst v0;
	s4 =	sadd.s32 $0x80, s4  }
0x1d: {  	[tilespmem:s4+$0xFFFFFFC0] =	vst v0;
	p0 =	slt.u32 s8, $0x20  }
0x1e: {  	[tilespmem:s4+$0x30] =	vst v0  }
.Ltmp0:
0x1f: {  	[tilespmem:s4+$0x20] =	vst v0;
	(pc) =	sbr.rel @p0 .LBB2_1-.Ltmp0, $4  }
0x20: {  	[tilespmem:s4+$0x10] =	vst v0  }
0x21: {  	[tilespmem:s4+$0x0] =	vst v0  }
0x22: {  	[tilespmem:s4+$0xFFFFFFF0] =	vst v0  }
0x23: {  	[tilespmem:s4+$0xFFFFFFE0] =	vst v0  }
0x24: {  	[tilespmem:s4+$0xFFFFFFD0] =	vst v0;
	s4 =	sadd.s32 s5, s2;
	s8 =	simm.s32 $0xA580;
	s28 =	simm.s32 $0x4  }
0x25: {  	[spmem:s4] =	stream.linear.scatter [tilespmem:s8], [sflag:$0x4], $0x280, $0x38;
	[tilespmem:$0xAD80] =	vst v63  }
0x26: {  	_ =	swait.ge [sflag:s28], $0x280  }
0x27: {  	[sflag:s28] =	ssyncset.done $0x0  }
0x28: {  	s29 =	simm.s32 $0x1;
	[sflag:s28] =	ssyncadd.s32 $0xFFFFFD80  }
0x29: {  	_ =	swait.ge [sflag:s29], $0x1388  }
0x2a: {  	[sflag:s29] =	ssyncset.done $0x0  }
0x2b: {  	[sflag:s29] =	ssyncadd.s32 $0xFFFFEC78  }
0x2c: {  	_ =	swait.ge [sflag:s29], $0x1388  }
0x2d: {  	[sflag:s29] =	ssyncset.done $0x0  }
0x2e: {  	s30 =	simm.s32 $0x2;
	[sflag:s29] =	ssyncadd.s32 $0xFFFFEC78  }
0x2f: {  	_ =	swait.ge [sflag:s30], $0x1388  }
0x30: {  	[sflag:s30] =	ssyncset.done $0x0  }
0x31: {  	[sflag:s30] =	ssyncadd.s32 $0xFFFFEC78  }
0x32: {  	_ =	swait.ge [sflag:s30], $0x1388  }
0x33: {  	[sflag:s30] =	ssyncset.done $0x0  }
0x34: {  	s31 =	simm.s32 $0x3;
	[sflag:s30] =	ssyncadd.s32 $0xFFFFEC78  }
0x35: {  	_ =	swait.ge [sflag:s31], $0x280  }
0x36: {  	[sflag:s31] =	ssyncset.done $0x0  }
0x37: {  	[sflag:s31] =	ssyncadd.s32 $0xFFFFFD80  }
0x38: {  	_ =	swait.ge [sflag:s31], $0x80  }
0x39: {  	[sflag:s31] =	ssyncset.done $0x0  }
0x3a: {  	s8 =	simm.s32 $0x80;
	[sflag:s31] =	ssyncadd.s32 $0xFFFFFF80  }
0x3b: {  	s10 =	simm.s32 $0x2800;
	v2 =	vld [tilespmem:s8+$0x70]  }
0x3c: {  	v3 =	vld [tilespmem:s10+$0x70]  }
0x3d: {  	v1 =	vld [tilespmem:s10+$0xFFFFFF80]  }
0x3e: {  	v4 =	vld [tilespmem:s8+$0xFFFFFF90]  }
0x3f: {  	v5 =	vld [tilespmem:s10+$0xFFFFFF90]  }
0x40: {  	v6 =	vld [tilespmem:s8+$0xFFFFFFA0]  }
0x41: {  	v7 =	vld [tilespmem:s10+$0xFFFFFFA0]  }
0x42: {  	v0 =	vimm.f32 $1.000000000e+00;
	v9 =	vld [tilespmem:s10+$0xFFFFFFB0];
	vm0 =	veq.s32 v2, v3  }
0x43: {  	s9 =	simm.s32 $0x4F80;
	v3 =	vld [tilespmem:s8+$0xFFFFFFB0];
	v8 =	vsel vm0, $0x0, v0  }
0x44: {  	v2 =	vsel vm0, $0x27FF, v2;
	vm0 =	veq.s32 v4, v5;
	v5 =	vld [tilespmem:s8+$0xFFFFFFC0];
	[tilespmem:s9+$0x70] =	vst v8  }
0x45: {  	v8 =	vld [tilespmem:s10+$0xFFFFFFC0];
	[tilespmem:s8+$0x70] =	vst v2;
	v2 =	vsel vm0, $0x0, v0  }
0x46: {  	v4 =	vsel vm0, $0x27FF, v4;
	vm0 =	veq.s32 v6, v7;
	v7 =	vld [tilespmem:s10+$0xFFFFFFD0];
	[tilespmem:s9+$0xFFFFFF90] =	vst v2  }
0x47: {  	v2 =	vld [tilespmem:s8+$0xFFFFFFD0];
	[tilespmem:s8+$0xFFFFFF90] =	vst v4;
	v4 =	vsel vm0, $0x0, v0  }
0x48: {  	v6 =	vsel vm0, $0x27FF, v6;
	vm0 =	veq.s32 v3, v9;
	v9 =	vld [tilespmem:s10+$0xFFFFFFE0];
	[tilespmem:s9+$0xFFFFFFA0] =	vst v4  }
0x49: {  	v4 =	vld [tilespmem:s8+$0xFFFFFFE0];
	[tilespmem:s8+$0xFFFFFFA0] =	vst v6;
	v6 =	vsel vm0, $0x0, v0  }
0x4a: {  	v3 =	vsel vm0, $0x27FF, v3;
	vm0 =	veq.s32 v5, v8;
	v8 =	vld [tilespmem:s10+$0xFFFFFFF0];
	[tilespmem:s9+$0xFFFFFFB0] =	vst v6  }
0x4b: {  	v6 =	vld [tilespmem:s8+$0xFFFFFFF0];
	[tilespmem:s8+$0xFFFFFFB0] =	vst v3;
	v3 =	vsel vm0, $0x0, v0  }
0x4c: {  	v5 =	vsel vm0, $0x27FF, v5;
	vm0 =	veq.s32 v2, v7;
	v7 =	vld [tilespmem:s10+$0x0];
	[tilespmem:s9+$0xFFFFFFC0] =	vst v3  }
0x4d: {  	v3 =	vld [tilespmem:s8+$0x0];
	[tilespmem:s8+$0xFFFFFFC0] =	vst v5;
	v5 =	vsel vm0, $0x0, v0  }
0x4e: {  	v2 =	vsel vm0, $0x27FF, v2;
	vm0 =	veq.s32 v4, v9;
	v9 =	vld [tilespmem:s10+$0x10];
	[tilespmem:s9+$0xFFFFFFD0] =	vst v5  }
0x4f: {  	v5 =	vld [tilespmem:s8+$0x10];
	[tilespmem:s8+$0xFFFFFFD0] =	vst v2;
	v2 =	vsel vm0, $0x0, v0  }
0x50: {  	v4 =	vsel vm0, $0x27FF, v4;
	vm0 =	veq.s32 v6, v8;
	v8 =	vld [tilespmem:s10+$0x20];
	[tilespmem:s9+$0xFFFFFFE0] =	vst v2  }
0x51: {  	v2 =	vld [tilespmem:s8+$0x20];
	[tilespmem:s8+$0xFFFFFFE0] =	vst v4;
	v4 =	vsel vm0, $0x0, v0  }
0x52: {  	v10 =	vld [tilespmem:s8+$0x30];
	v6 =	vsel vm0, $0x27FF, v6;
	vm0 =	veq.s32 v3, v7;
	[tilespmem:s9+$0xFFFFFFF0] =	vst v4  }
0x53: {  	v7 =	vld [tilespmem:s10+$0x30];
	v4 =	vsel vm0, $0x0, v0;
	[tilespmem:s8+$0xFFFFFFF0] =	vst v6  }
0x54: {  	v6 =	vsel vm0, $0x27FF, v3;
	[tilespmem:s9+$0x0] =	vst v4;
	vm0 =	veq.s32 v5, v9;
	v3 =	vld [tilespmem:s8+$0x40]  }
0x55: {  	v9 =	vld [tilespmem:s10+$0x40];
	[tilespmem:s8+$0x0] =	vst v6;
	v4 =	vsel vm0, $0x0, v0  }
0x56: {  	v5 =	vsel vm0, $0x27FF, v5;
	v6 =	vld [tilespmem:s10+$0x50];
	[tilespmem:s9+$0x10] =	vst v4;
	vm0 =	veq.s32 v2, v8  }
0x57: {  	v4 =	vld [tilespmem:s8+$0x50];
	[tilespmem:s8+$0x10] =	vst v5;
	v5 =	vsel vm0, $0x0, v0  }
0x58: {  	v8 =	vsel vm0, $0x27FF, v2;
	vm0 =	veq.s32 v10, v7;
	v2 =	vld [tilespmem:s8+$0x60];
	[tilespmem:s9+$0x20] =	vst v5  }
0x59: {  	v7 =	vld [tilespmem:s10+$0x60];
	v11 =	vsel vm0, $0x0, v0;
	[tilespmem:s8+$0x20] =	vst v8  }
0x5a: {  	s11 =	simm.s32 $0x0;
	s12 =	simm.s32 $0x180;
	v5 =	vld [tilespmem:s8+$0xFFFFFF80];
	v8 =	vsel vm0, $0x27FF, v10;
	[tilespmem:s9+$0x30] =	vst v11;
	vm0 =	veq.s32 v3, v9  }
.LBB2_3:
0x5b: {  	v9 =	vld [tilespmem:s12+$0x70];
	[tilespmem:s8+$0x30] =	vst v8;
	v8 =	vsel vm0, $0x0, v0;
	v3 =	vsel vm0, $0x27FF, v3;
	s10 =	sadd.s32 $0x100, s10  }
0x5c: {  	v10 =	vld [tilespmem:s10+$0x70];
	[tilespmem:s9+$0x40] =	vst v8;
	vm0 =	veq.s32 v4, v6  }
0x5d: {  	s11 =	sadd.s32 $0x10, s11;
	v6 =	vld [tilespmem:s10+$0xFFFFFF80];
	[tilespmem:s8+$0x40] =	vst v3;
	v3 =	vsel vm0, $0x0, v0;
	v4 =	vsel vm0, $0x27FF, v4  }
0x5e: {  	p0 =	slt.u32 s11, $0x260;
	v8 =	vld [tilespmem:s12+$0xFFFFFF90];
	[tilespmem:s9+$0x50] =	vst v3;
	vm0 =	veq.s32 v2, v7  }
0x5f: {  	v3 =	vld [tilespmem:s10+$0xFFFFFF90];
	vm1 =	veq.s32 v5, v1;
	[tilespmem:s8+$0x50] =	vst v4;
	v1 =	vsel vm0, $0x0, v0;
	v2 =	vsel vm0, $0x27FF, v2  }
0x60: {  	v4 =	vld [tilespmem:s12+$0xFFFFFFA0];
	v7 =	vsel vm1, $0x0, v0;
	v5 =	vsel vm1, $0x27FF, v5;
	[tilespmem:s9+$0x60] =	vst v1  }
0x61: {  	v11 =	vld [tilespmem:s10+$0xFFFFFFA0];
	vm0 =	veq.s32 v9, v10;
	[tilespmem:s9+$0xFFFFFF80] =	vst v7  }
0x62: {  	s9 =	sadd.s32 $0x100, s9;
	v7 =	vld [tilespmem:s12+$0xFFFFFFB0];
	v10 =	vsel vm0, $0x0, v0;
	[tilespmem:s8+$0xFFFFFF80] =	vst v5;
	v1 =	vmov v6  }
0x63: {  	v6 =	vsel vm0, $0x27FF, v9;
	v5 =	vld [tilespmem:s10+$0xFFFFFFB0];
	[tilespmem:s9+$0x70] =	vst v10  }
0x64: {  	vm0 =	veq.s32 v8, v3;
	v3 =	vld [tilespmem:s12+$0xFFFFFFC0];
	[tilespmem:s12+$0x70] =	vst v6  }
0x65: {  	v6 =	vsel vm0, $0x0, v0;
	v8 =	vsel vm0, $0x27FF, v8;
	v9 =	vld [tilespmem:s10+$0xFFFFFFC0];
	[tilespmem:s8+$0x60] =	vst v2;
	s8 =	smov.u32 s12  }
0x66: {  	[tilespmem:s9+$0xFFFFFF90] =	vst v6;
	vm0 =	veq.s32 v4, v11;
	v2 =	vld [tilespmem:s12+$0xFFFFFFD0]  }
0x67: {  	[tilespmem:s12+$0xFFFFFF90] =	vst v8;
	v6 =	vsel vm0, $0x0, v0;
	v4 =	vsel vm0, $0x27FF, v4;
	v8 =	vld [tilespmem:s10+$0xFFFFFFD0]  }
0x68: {  	[tilespmem:s9+$0xFFFFFFA0] =	vst v6;
	vm0 =	veq.s32 v7, v5;
	v5 =	vld [tilespmem:s12+$0xFFFFFFE0]  }
0x69: {  	[tilespmem:s12+$0xFFFFFFA0] =	vst v4;
	v4 =	vsel vm0, $0x0, v0;
	v6 =	vsel vm0, $0x27FF, v7;
	v7 =	vld [tilespmem:s10+$0xFFFFFFE0]  }
0x6a: {  	[tilespmem:s9+$0xFFFFFFB0] =	vst v4;
	vm0 =	veq.s32 v3, v9;
	v4 =	vld [tilespmem:s12+$0xFFFFFFF0]  }
0x6b: {  	[tilespmem:s12+$0xFFFFFFB0] =	vst v6;
	v6 =	vsel vm0, $0x0, v0;
	v3 =	vsel vm0, $0x27FF, v3;
	v9 =	vld [tilespmem:s10+$0xFFFFFFF0]  }
0x6c: {  	[tilespmem:s9+$0xFFFFFFC0] =	vst v6;
	vm0 =	veq.s32 v2, v8;
	v6 =	vld [tilespmem:s12+$0x0]  }
0x6d: {  	[tilespmem:s12+$0xFFFFFFC0] =	vst v3;
	v3 =	vsel vm0, $0x0, v0;
	v2 =	vsel vm0, $0x27FF, v2;
	v8 =	vld [tilespmem:s10+$0x0]  }
0x6e: {  	[tilespmem:s9+$0xFFFFFFD0] =	vst v3;
	vm0 =	veq.s32 v5, v7;
	v7 =	vld [tilespmem:s12+$0x10]  }
0x6f: {  	[tilespmem:s12+$0xFFFFFFD0] =	vst v2;
	v2 =	vsel vm0, $0x0, v0;
	v3 =	vsel vm0, $0x27FF, v5;
	v5 =	vld [tilespmem:s10+$0x10]  }
0x70: {  	[tilespmem:s9+$0xFFFFFFE0] =	vst v2;
	vm0 =	veq.s32 v4, v9;
	v2 =	vld [tilespmem:s12+$0x20]  }
0x71: {  	[tilespmem:s12+$0xFFFFFFE0] =	vst v3;
	v3 =	vsel vm0, $0x0, v0;
	v4 =	vsel vm0, $0x27FF, v4;
	v9 =	vld [tilespmem:s10+$0x20]  }
0x72: {  	[tilespmem:s9+$0xFFFFFFF0] =	vst v3;
	vm0 =	veq.s32 v6, v8;
	v8 =	vld [tilespmem:s12+$0x30]  }
0x73: {  	[tilespmem:s12+$0xFFFFFFF0] =	vst v4;
	v3 =	vsel vm0, $0x0, v0;
	v4 =	vsel vm0, $0x27FF, v6;
	v10 =	vld [tilespmem:s10+$0x30]  }
0x74: {  	[tilespmem:s9+$0x0] =	vst v3;
	vm0 =	veq.s32 v7, v5;
	v3 =	vld [tilespmem:s12+$0x40]  }
0x75: {  	[tilespmem:s12+$0x0] =	vst v4;
	v4 =	vsel vm0, $0x0, v0;
	v5 =	vsel vm0, $0x27FF, v7;
	v11 =	vld [tilespmem:s10+$0x40]  }
.Ltmp1:
0x76: {  	[tilespmem:s9+$0x10] =	vst v4;
	vm0 =	veq.s32 v2, v9;
	v4 =	vld [tilespmem:s12+$0x50];
	(pc) =	sbr.rel @p0 .LBB2_3-.Ltmp1, $4  }
0x77: {  	[tilespmem:s12+$0x10] =	vst v5;
	v5 =	vsel vm0, $0x0, v0;
	v7 =	vsel vm0, $0x27FF, v2;
	v6 =	vld [tilespmem:s10+$0x50]  }
0x78: {  	[tilespmem:s9+$0x20] =	vst v5;
	vm0 =	veq.s32 v8, v10;
	v2 =	vld [tilespmem:s12+$0x60]  }
0x79: {  	[tilespmem:s12+$0x20] =	vst v7;
	v9 =	vsel vm0, $0x0, v0;
	v8 =	vsel vm0, $0x27FF, v8;
	v7 =	vld [tilespmem:s10+$0x60]  }
0x7a: {  	s12 =	sadd.s32 $0x100, s12;
	v5 =	vld [tilespmem:s8+$0xFFFFFF80];
	[tilespmem:s9+$0x30] =	vst v9;
	vm0 =	veq.s32 v3, v11  }
0x7b: {  	[tilespmem:s8+$0x30] =	vst v8;
	v57 =	vsel vm0, $0x0, v0  }
0x7c: {  	v3 =	vsel vm0, $0x27FF, v3;
	[tilespmem:s9+$0x40] =	vst v57;
	vm13 =	veq.s32 v4, v6  }
0x7d: {  	[tilespmem:s8+$0x40] =	vst v3;
	v58 =	vsel vm13, $0x0, v0  }
0x7e: {  	v4 =	vsel vm13, $0x27FF, v4;
	[tilespmem:s9+$0x50] =	vst v58;
	vm14 =	veq.s32 v2, v7  }
0x7f: {  	vm1 =	veq.s32 v5, v1;
	[tilespmem:s8+$0x50] =	vst v4;
	v59 =	vsel vm14, $0x0, v0  }
0x80: {  	v60 =	vsel vm1, $0x0, v0;
	[tilespmem:s9+$0x60] =	vst v59  }
0x81: {  	v62 =	vsel vm14, $0x27FF, v2;
	[tilespmem:s9+$0xFFFFFF80] =	vst v60  }
0x82: {  	v61 =	vsel vm1, $0x27FF, v5;
	[tilespmem:s8+$0x60] =	vst v62  }
0x83: {  	[tilespmem:s8+$0xFFFFFF80] =	vst v61  }
0x84: {  	v0 =	vld [tilespmem:$0x2700]  }
0x85: {  	v1 =	vld [tilespmem:$0x4E80];
	_ =	sdelay $0x2  }
0x86: {  	p0 =	sne.s32 s1, $0xF  }
.Ltmp2:
0x87: {  	_ = 	snop;
	(pc) =	sbr.rel @p0 .LBB2_7-.Ltmp2, $4  }
0x88: {  	v63 =	vimm.f32 $1.000000000e+00;
	vm15 =	veq.s32 v0, v1  }
0x89: {  	v1 =	vsel vm15, $0x0, v63  }
0x8a: {  	v0 =	vsel vm15, $0x27FF, v0;
	[tilespmem:$0x7600] =	vst v1  }
0x8b: {  	[tilespmem:$0x2700] =	vst v0  }
0x8c: {  	v0 =	vimm.f32 $0.0e+00  }
0x8d: {  	[tilespmem:$0x9F90] =	vst v0  }
0x8e: {  	[tilespmem:$0x9FA0] =	vst v0  }
0x8f: {  	[tilespmem:$0x9FB0] =	vst v0  }
0x90: {  	[tilespmem:$0x9FC0] =	vst v0  }
0x91: {  	[tilespmem:$0x9FD0] =	vst v0  }
0x92: {  	[tilespmem:$0x9FE0] =	vst v0  }
0x93: {  	[tilespmem:$0x9FF0] =	vst v0  }
0x94: {  	s8 =	simm.s32 $0x0;
	[tilespmem:$0xA000] =	vst v0  }
.LBB2_6:
0x95: {  	p0 =	sne.s32 s8, $0x180  }
.Ltmp3:
0x96: {  	_ = 	snop;
	(pc) =	sbr.rel @p0 .LBB2_6-.Ltmp3, $3  }
0x97: {  	_ =	sdelay $0x1  }
0x98: {  	s9 =	sshra.s32 s8, $0x2  }
0x99: {  	s8 =	sadd.s32 $0x40, s8;
	[tilespmem:s9+$0xA010] =	vst v0  }
.LBB2_7:
0x9a: {  	[bflag:$0x0] =	sbarrier.arrive $0xFFFF;
	s8 =	simm.s32 $0x2710  }
0x9b: {  	s9 =	simm.s32 $0x2780;
	s10 =	simm.s32 $0x4F00;
	s28 =	simm.s32 $0x4  }
0x9c: {  	[spmem:s2] =	stream.indirect.scatter.add.f32 [tilespmem:s10], [sflag:$0x4], $0x1, s9, s8, $0xb8;
	[tilespmem:$0xAD80] =	vst v63  }
0x9d: {  	_ =	swait.ge [sflag:s28], $0x2710  }
0x9e: {  	[sflag:s28] =	ssyncset.done $0x0  }
0x9f: {  	[sflag:s28] =	ssyncadd.s32 $0xFFFFD8F0  }
0xa0: {  	s29 =	simm.s32 $0xA300;
	[bflag:$0x0] =	sbarrier.arrive $0xFFFF  }
0xa1: {  	[tilespmem:s29], [sflag:$0x4] =	stream.linear.gather [spmem:s4], $0x280, $0x38;
	[tilespmem:$0xAD80] =	vst v63  }
0xa2: {  	_ =	swait.ge [sflag:s28], $0x280  }
0xa3: {  	[sflag:s28] =	ssyncset.done $0x0  }
0xa4: {  	s30 =	simm.s32 $0xA340;
	[sflag:s28] =	ssyncadd.s32 $0xFFFFFD80  }
0xa5: {  	v0 =	vld [tilespmem:s30+$0x30];
	_ =	sdelay $0x4  }
0xa6: {  	v0 =	vadd.f32 $1.000000000e+00, v0;
	_ =	sdelay $0x1  }
0xa7: {  	v4 =	vld [tilespmem:s30+$0xFFFFFFE0];
	v2 =	vmul.f32 $5.000000000e-01, v0;
	v0 =	vshrl.u32 v0, $0x1  }
0xa8: {  	v0 =	vsub.s32 $0x5F3759DF, v0  }
0xa9: {  	v1 =	vld [tilespmem:s30+$0xFFFFFFD0];
	v5 =	vmul.f32 v0, v2  }
0xaa: {  	v3 =	vld [tilespmem:s30+$0x10]  }
0xab: {  	v5 =	vmul.f32 v0, v5  }
0xac: {  	v4 =	vadd.f32 $1.000000000e+00, v4  }
0xad: {  	v5 =	vsub.f32 $1.500000000e+00, v5  }
0xae: {  	v6 =	vld [tilespmem:s30+$0xFFFFFFF0];
	v1 =	vadd.f32 $1.000000000e+00, v1;
	v9 =	vshrl.u32 v4, $0x1;
	v4 =	vmul.f32 $5.000000000e-01, v4  }
0xaf: {  	v7 =	vld [tilespmem:s30+$0xFFFFFFC0];
	v3 =	vadd.f32 $1.000000000e+00, v3;
	v9 =	vsub.s32 $0x5F3759DF, v9;
	v5 =	vmul.f32 v0, v5  }
0xb0: {  	v10 =	vld [tilespmem:s30+$0x0];
	v8 =	vshrl.u32 v1, $0x1;
	v1 =	vmul.f32 $5.000000000e-01, v1;
	v16 =	vmul.f32 v9, v4  }
0xb1: {  	v11 =	vld [tilespmem:s30+$0x20];
	v13 =	vmul.f32 $5.000000000e-01, v3;
	v8 =	vsub.s32 $0x5F3759DF, v8;
	v12 =	vmul.f32 v5, v2  }
0xb2: {  	v16 =	vmul.f32 v9, v16;
	v0 =	vshrl.u32 v3, $0x1;
	v3 =	vmul.f32 v8, v1  }
0xb3: {  	v6 =	vadd.f32 $1.000000000e+00, v6;
	v14 =	vsub.s32 $0x5F3759DF, v0;
	v0 =	vmul.f32 v12, v5  }
0xb4: {  	v7 =	vadd.f32 $1.000000000e+00, v7;
	v16 =	vsub.f32 $1.500000000e+00, v16;
	v3 =	vmul.f32 v8, v3  }
0xb5: {  	v10 =	vadd.f32 $1.000000000e+00, v10;
	v17 =	vsub.f32 $1.500000000e+00, v0  }
0xb6: {  	v11 =	vadd.f32 $1.000000000e+00, v11;
	v9 =	vmul.f32 v9, v16;
	v18 =	vsub.f32 $1.500000000e+00, v3  }
0xb7: {  	v15 =	vshrl.u32 v7, $0x1;
	v12 =	vmul.f32 v14, v13;
	v5 =	vmul.f32 v17, v5  }
0xb8: {  	v3 =	vmul.f32 $5.000000000e-01, v11;
	v17 =	vshrl.u32 v11, $0x1;
	v11 =	vmul.f32 v8, v18  }
0xb9: {  	v15 =	vsub.s32 $0x5F3759DF, v15;
	v0 =	vmul.f32 $5.000000000e-01, v6;
	v2 =	vmul.f32 v5, v2  }
0xba: {  	v12 =	vmul.f32 v14, v12;
	v17 =	vsub.s32 $0x5F3759DF, v17;
	v19 =	vmul.f32 v11, v1  }
0xbb: {  	v6 =	vshrl.u32 v6, $0x1;
	v8 =	vmul.f32 v17, v3;
	v2 =	vmul.f32 v2, v5  }
0xbc: {  	v18 =	vmul.f32 $5.000000000e-01, v7;
	v7 =	vsub.s32 $0x5F3759DF, v6;
	v19 =	vmul.f32 v19, v11  }
0xbd: {  	v16 =	vmul.f32 v7, v0;
	v6 =	vmul.f32 v17, v8;
	v2 =	vsub.f32 $1.500000000e+00, v2  }
0xbe: {  	v20 =	vmul.f32 v15, v18;
	v8 =	vmul.f32 $5.000000000e-01, v10;
	v19 =	vsub.f32 $1.500000000e+00, v19  }
0xbf: {  	v6 =	vsub.f32 $1.500000000e+00, v6;
	v2 =	vmul.f32 v2, v5;
	v5 =	vsub.f32 $1.500000000e+00, v12  }
0xc0: {  	v10 =	vshrl.u32 v10, $0x1;
	v12 =	vmul.f32 v15, v20;
	v11 =	vmul.f32 v19, v11  }
0xc1: {  	v10 =	vsub.s32 $0x5F3759DF, v10;
	v17 =	vmul.f32 v17, v6;
	v5 =	vmul.f32 v14, v5  }
0xc2: {  	s31 =	simm.s32 $0xA3C0;
	s9 =	simm.s32 $0xA0C0;
	v6 =	vmul.f32 v9, v4;
	v12 =	vsub.f32 $1.500000000e+00, v12;
	v1 =	vmul.f32 v11, v1  }
0xc3: {  	s8 =	simm.s32 $0x9E40;
	v21 =	vld [tilespmem:s31+$0xFFFFFFD0];
	v14 =	vmul.f32 v10, v8;
	[tilespmem:s9+$0x30] =	vst v2;
	v19 =	vmul.f32 v5, v13  }
0xc4: {  	v12 =	vmul.f32 v15, v12;
	v1 =	vmul.f32 v1, v11;
	v15 =	vld [tilespmem:s8+$0x30]  }
0xc5: {  	v14 =	vmul.f32 v10, v14;
	v19 =	vmul.f32 v19, v5  }
0xc6: {  	v23 =	vld [tilespmem:s31+$0x10];
	v6 =	vmul.f32 v6, v9;
	v20 =	vmul.f32 v12, v18;
	v1 =	vsub.f32 $1.500000000e+00, v1  }
0xc7: {  	v22 =	vld [tilespmem:s31+$0x30];
	v16 =	vmul.f32 v7, v16;
	v14 =	vsub.f32 $1.500000000e+00, v14;
	v19 =	vsub.f32 $1.500000000e+00, v19  }
0xc8: {  	v20 =	vmul.f32 v20, v12;
	v11 =	vmul.f32 v1, v11;
	v1 =	vsub.f32 $1.500000000e+00, v6  }
0xc9: {  	v14 =	vmul.f32 v10, v14;
	v10 =	vadd.f32 $1.000000000e+00, v21;
	v24 =	vmul.f32 v2, v15  }
0xca: {  	v19 =	vmul.f32 v19, v5;
	v2 =	vsub.f32 $1.500000000e+00, v20;
	[tilespmem:s9+$0xFFFFFFD0] =	vst v11;
	v1 =	vmul.f32 v1, v9  }
0xcb: {  	v15 =	vadd.f32 $1.000000000e+00, v23;
	v9 =	vmul.f32 v14, v8;
	v26 =	vmul.f32 $5.000000000e-01, v10;
	v5 =	vld [tilespmem:s8+$0xFFFFFFD0]  }
0xcc: {  	v6 =	vmul.f32 v19, v13;
	v20 =	vmul.f32 v2, v12;
	v2 =	vadd.f32 $1.000000000e+00, v22  }
0xcd: {  	v13 =	vld [tilespmem:s31+$0xFFFFFFE0];
	v4 =	vmul.f32 v1, v4;
	v9 =	vmul.f32 v9, v14;
	v22 =	vshrl.u32 v10, $0x1  }
0xce: {  	v12 =	vld [tilespmem:s31+$0xFFFFFFF0];
	v22 =	vsub.s32 $0x5F3759DF, v22;
	v21 =	vmul.f32 $5.000000000e-01, v2;
	v2 =	vshrl.u32 v2, $0x1  }
0xcf: {  	v6 =	vmul.f32 v6, v19;
	v23 =	vmul.f32 v4, v1;
	v2 =	vsub.s32 $0x5F3759DF, v2  }
0xd0: {  	v4 =	vsub.f32 $1.500000000e+00, v9;
	v9 =	vld [tilespmem:s31+$0xFFFFFFC0];
	v25 =	vmul.f32 v11, v5;
	v5 =	vmul.f32 v2, v21  }
0xd1: {  	v11 =	vmul.f32 v20, v18;
	v27 =	vsub.f32 $1.500000000e+00, v6;
	v6 =	vmul.f32 $5.000000000e-01, v15  }
0xd2: {  	v10 =	vadd.f32 $1.000000000e+00, v13;
	v13 =	vmul.f32 v17, v3;
	v5 =	vmul.f32 v2, v5  }
0xd3: {  	v18 =	vadd.f32 $1.000000000e+00, v12;
	v12 =	vshrl.u32 v15, $0x1;
	v28 =	vmul.f32 v11, v20  }
0xd4: {  	v29 =	vld [tilespmem:s31+$0x0];
	v30 =	vsub.s32 $0x5F3759DF, v12;
	v59 =	vmul.f32 v27, v19;
	v15 =	vsub.f32 $1.500000000e+00, v5  }
0xd5: {  	v12 =	vld [tilespmem:s31+$0x20];
	v11 =	vshrl.u32 v10, $0x1;
	v9 =	vadd.f32 $1.000000000e+00, v9;
	v31 =	vmul.f32 v30, v6  }
0xd6: {  	v5 =	vmul.f32 $5.000000000e-01, v10;
	v32 =	vsub.s32 $0x5F3759DF, v11;
	v15 =	vmul.f32 v2, v15  }
0xd7: {  	v10 =	vmul.f32 v22, v26;
	v11 =	vshrl.u32 v9, $0x1;
	v9 =	vmul.f32 $5.000000000e-01, v9  }
0xd8: {  	v2 =	vmul.f32 v13, v17;
	v33 =	vmul.f32 v15, v21  }
0xd9: {  	v29 =	vadd.f32 $1.000000000e+00, v29;
	v31 =	vmul.f32 v30, v31;
	v13 =	vmul.f32 v32, v5  }
0xda: {  	v34 =	vsub.f32 $1.500000000e+00, v2;
	v2 =	vadd.f32 $1.000000000e+00, v12;
	v12 =	vmul.f32 v33, v15  }
0xdb: {  	v35 =	vmul.f32 v22, v10;
	v10 =	vmul.f32 $5.000000000e-01, v18;
	v57 =	vsub.s32 $0x5F3759DF, v11  }
0xdc: {  	v11 =	vmul.f32 v4, v14;
	v19 =	vmul.f32 v57, v9;
	v14 =	vsub.f32 $1.500000000e+00, v12  }
0xdd: {  	v13 =	vmul.f32 v32, v13;
	v12 =	vmul.f32 v34, v17;
	v17 =	vsub.f32 $1.500000000e+00, v35  }
0xde: {  	v4 =	vshrl.u32 v2, $0x1;
	v2 =	vmul.f32 $5.000000000e-01, v2;
	v14 =	vmul.f32 v14, v15  }
0xdf: {  	v61 =	vmul.f32 v11, v8;
	v58 =	vsub.s32 $0x5F3759DF, v4;
	v17 =	vmul.f32 v22, v17  }
0xe0: {  	v4 =	vshrl.u32 v18, $0x1;
	v15 =	vmul.f32 v58, v2;
	v18 =	vmul.f32 v14, v21  }
0xe1: {  	v13 =	vsub.f32 $1.500000000e+00, v13;
	v27 =	vmul.f32 v12, v3;
	v22 =	vmul.f32 v17, v26  }
0xe2: {  	v21 =	vsub.f32 $1.500000000e+00, v28;
	v28 =	vmul.f32 v58, v15;
	v18 =	vmul.f32 v18, v14  }
0xe3: {  	v15 =	vmul.f32 v32, v13;
	v13 =	vsub.f32 $1.500000000e+00, v16;
	v16 =	vmul.f32 v22, v17  }
0xe4: {  	v3 =	vmul.f32 $5.000000000e-01, v29;
	v28 =	vsub.f32 $1.500000000e+00, v28;
	v18 =	vsub.f32 $1.500000000e+00, v18  }
0xe5: {  	v60 =	vmul.f32 v7, v13;
	v13 =	vshrl.u32 v29, $0x1;
	v16 =	vsub.f32 $1.500000000e+00, v16  }
0xe6: {  	v18 =	vmul.f32 v18, v14;
	v14 =	vsub.s32 $0x5F3759DF, v13;
	v13 =	vmul.f32 v57, v19  }
0xe7: {  	v7 =	vmul.f32 v58, v28;
	v28 =	vmul.f32 v21, v20;
	v21 =	vsub.f32 $1.500000000e+00, v31  }
0xe8: {  	v27 =	vmul.f32 v27, v12;
	v19 =	vmul.f32 v16, v17;
	v13 =	vsub.f32 $1.500000000e+00, v13  }
0xe9: {  	[tilespmem:s9+$0xFFFFFFC0] =	vst v28;
	v17 =	vmul.f32 v60, v0;
	v21 =	vmul.f32 v30, v21  }
0xea: {  	[tilespmem:s9+$0x10] =	vst v59;
	v8 =	vsub.f32 $1.500000000e+00, v23;
	v29 =	vmul.f32 v14, v3;
	v31 =	vld [tilespmem:s8+$0xFFFFFFC0];
	v16 =	vmul.f32 v57, v13  }
0xeb: {  	s14 =	simm.s32 $0xA140;
	v30 =	vld [tilespmem:s8+$0x10];
	v13 =	vmul.f32 v17, v60;
	v17 =	vsub.f32 $1.500000000e+00, v27;
	v27 =	vmul.f32 v61, v11  }
0xec: {  	s11 =	simm.s32 $0xA5C0;
	s16 =	simm.s32 $0x9EC0;
	v4 =	vsub.s32 $0x5F3759DF, v4;
	[tilespmem:s14+$0x30] =	vst v18;
	v23 =	vmul.f32 v14, v29;
	v29 =	vmul.f32 v21, v6  }
0xed: {  	[tilespmem:s11+$0xFFFFFFD0] =	vst v25;
	v22 =	vmul.f32 v4, v10;
	v26 =	vmul.f32 v19, v26;
	v25 =	vsub.f32 $1.500000000e+00, v27;
	v27 =	vld [tilespmem:s16+$0x30]  }
0xee: {  	v20 =	vmul.f32 v15, v5;
	v63 =	vmul.f32 v29, v21  }
0xef: {  	s15 =	simm.s32 $0x8;
	s17 =	simm.s32 $0xA440;
	s18 =	simm.s32 $0xA6C0;
	v29 =	vmul.f32 v26, v19;
	v62 =	vsub.f32 $1.500000000e+00, v13;
	v31 =	vmul.f32 v28, v31  }
0xf0: {  	s13 =	simm.s32 $0xA140;
	s12 =	simm.s32 $0x9EC0;
	s10 =	sadd.s32 s5, s3;
	[tilespmem:s11+$0x30] =	vst v24;
	v23 =	vsub.f32 $1.500000000e+00, v23;
	v26 =	vmul.f32 v59, v30;
	v24 =	vmul.f32 v16, v9  }
0xf1: {  	s5 =	sadd.s32 s6, s7;
	s6 =	sadd.s32 $0x4B0, s6;
	s7 =	simm.s32 $0xA640;
	v13 =	vmul.f32 v4, v22;
	v28 =	vsub.f32 $1.500000000e+00, v63;
	[tilespmem:s11+$0xFFFFFFC0] =	vst v31;
	v22 =	vmul.f32 v62, v60  }
.LBB2_8:
0xf2: {  	v30 =	vld [tilespmem:s17+$0xFFFFFFD0];
	s15 =	sadd.s32 $0x8, s15;
	v29 =	vsub.f32 $1.500000000e+00, v29;
	v20 =	vmul.f32 v20, v15;
	v27 =	vmul.f32 v18, v27;
	s14 =	sadd.s32 $0x80, s14;
	s16 =	sadd.s32 $0x80, s16  }
0xf3: {  	v31 =	vld [tilespmem:s17+$0x30];
	p0 =	slt.u32 s15, $0x20;
	v18 =	vmul.f32 v28, v21;
	v21 =	vmul.f32 v22, v0;
	[tilespmem:s11+$0x10] =	vst v26;
	v0 =	vmov v10  }
0xf4: {  	v24 =	vmul.f32 v24, v16;
	v10 =	vld [tilespmem:s17+$0x10];
	v19 =	vmul.f32 v29, v19;
	v20 =	vsub.f32 $1.500000000e+00, v20;
	[tilespmem:s7+$0x30] =	vst v27  }
0xf5: {  	v12 =	vmul.f32 v17, v12;
	v21 =	vmul.f32 v21, v22  }
0xf6: {  	v23 =	vmul.f32 v14, v23;
	v11 =	vmul.f32 v25, v11;
	v17 =	vsub.f32 $1.500000000e+00, v24;
	[tilespmem:s13+$0xFFFFFFD0] =	vst v19  }
0xf7: {  	v6 =	vmul.f32 v18, v6;
	v15 =	vmul.f32 v20, v15;
	v14 =	vld [tilespmem:s12+$0xFFFFFFD0];
	v20 =	vsub.f32 $1.500000000e+00, v21  }
0xf8: {  	v16 =	vmul.f32 v17, v16;
	v17 =	vmul.f32 v23, v3;
	v21 =	vadd.f32 $1.000000000e+00, v30;
	v24 =	vld [tilespmem:s17+$0xFFFFFFE0];
	[tilespmem:s9+$0x20] =	vst v12  }
0xf9: {  	v26 =	vadd.f32 $1.000000000e+00, v31;
	v5 =	vmul.f32 v15, v5;
	v25 =	vld [tilespmem:s17+$0xFFFFFFF0];
	v20 =	vmul.f32 v20, v22;
	[tilespmem:s9+$0x0] =	vst v11  }
0xfa: {  	v6 =	vmul.f32 v6, v18;
	v17 =	vmul.f32 v17, v23;
	v10 =	vadd.f32 $1.000000000e+00, v10;
	v22 =	vld [tilespmem:s8+$0x0]  }
0xfb: {  	v28 =	vmul.f32 v8, v1;
	v1 =	vmovc v15;
	v27 =	vshrl.u32 v21, $0x1;
	v5 =	vmul.f32 v5, v15;
	[tilespmem:s9+$0xFFFFFFF0] =	vst v20;
	v29 =	vld [tilespmem:s8+$0x20]  }
0xfc: {  	v15 =	vmul.f32 $5.000000000e-01, v26;
	v8 =	vmul.f32 v19, v14;
	v19 =	vsub.f32 $1.500000000e+00, v17;
	v14 =	vld [tilespmem:s8+$0xFFFFFFF0]  }
0xfd: {  	v17 =	vmul.f32 $5.000000000e-01, v21;
	v30 =	vld [tilespmem:s17+$0xFFFFFFC0];
	v21 =	vadd.f32 $1.000000000e+00, v24;
	v24 =	vshrl.u32 v26, $0x1;
	[tilespmem:s9+$0xFFFFFFE0] =	vst v28;
	s9 =	smov.u32 s13;
	s13 =	smov.u32 s14  }
0xfe: {  	v9 =	vmul.f32 v16, v9;
	v26 =	vmul.f32 v7, v2;
	[tilespmem:s7+$0xFFFFFFD0] =	vst v8;
	v8 =	vsub.f32 $1.500000000e+00, v5;
	v31 =	vld [tilespmem:s8+$0xFFFFFFE0];
	s8 =	smov.u32 s12;
	s12 =	smov.u32 s16  }
0xff: {  	v32 =	vsub.f32 $1.500000000e+00, v6;
	v25 =	vadd.f32 $1.000000000e+00, v25;
	v24 =	vsub.s32 $0x5F3759DF, v24  }
0x100: {  	v34 =	vmul.f32 v9, v16;
	v6 =	vshrl.u32 v10, $0x1;
	v33 =	vmul.f32 v24, v15  }
0x101: {  	v9 =	vshrl.u32 v21, $0x1;
	v5 =	vmul.f32 $5.000000000e-01, v21;
	v11 =	vmul.f32 v11, v22;
	v21 =	vld [tilespmem:s17+$0x0]  }
0x102: {  	v22 =	vsub.s32 $0x5F3759DF, v6;
	v12 =	vmul.f32 v12, v29;
	v33 =	vmul.f32 v24, v33  }
0x103: {  	v6 =	vmul.f32 $5.000000000e-01, v10;
	v29 =	vadd.f32 $1.000000000e+00, v30;
	v10 =	vmul.f32 v28, v31;
	[tilespmem:s11+$0x0] =	vst v11  }
0x104: {  	v14 =	vmul.f32 v20, v14;
	v28 =	vsub.s32 $0x5F3759DF, v9;
	v11 =	vsub.f32 $1.500000000e+00, v33;
	v9 =	vld [tilespmem:s17+$0x20];
	[tilespmem:s11+$0x20] =	vst v12  }
0x105: {  	v20 =	vsub.s32 $0x5F3759DF, v27;
	v27 =	vmul.f32 v22, v6;
	v12 =	vmul.f32 v26, v7;
	[tilespmem:s11+$0xFFFFFFE0] =	vst v10  }
0x106: {  	v26 =	vmul.f32 v20, v17;
	v10 =	vshrl.u32 v29, $0x1;
	v24 =	vmul.f32 v24, v11;
	[tilespmem:s11+$0xFFFFFFF0] =	vst v14;
	s11 =	smov.u32 s7;
	s7 =	smov.u32 s18  }
0x107: {  	v11 =	vmul.f32 v28, v5;
	v21 =	vadd.f32 $1.000000000e+00, v21;
	v12 =	vsub.f32 $1.500000000e+00, v12  }
0x108: {  	v30 =	vsub.s32 $0x5F3759DF, v10;
	v26 =	vmul.f32 v20, v26;
	v14 =	vmul.f32 v24, v15  }
0x109: {  	v31 =	vshrl.u32 v25, $0x1;
	v10 =	vmul.f32 $5.000000000e-01, v25;
	v9 =	vadd.f32 $1.000000000e+00, v9  }
0x10a: {  	v25 =	vmul.f32 v28, v11;
	v11 =	vshrl.u32 v21, $0x1;
	v33 =	vmul.f32 v14, v24  }
0x10b: {  	v14 =	vsub.s32 $0x5F3759DF, v11;
	v11 =	vmul.f32 v19, v23;
	v35 =	vshrl.u32 v9, $0x1  }
0x10c: {  	v12 =	vmul.f32 v12, v7;
	v19 =	vmul.f32 $5.000000000e-01, v9;
	v23 =	vsub.f32 $1.500000000e+00, v33  }
0x10d: {  	v7 =	vsub.f32 $1.500000000e+00, v26;
	v9 =	vmul.f32 $5.000000000e-01, v29;
	v26 =	vsub.s32 $0x5F3759DF, v35  }
0x10e: {  	v32 =	vmul.f32 v32, v18;
	v25 =	vsub.f32 $1.500000000e+00, v25;
	v23 =	vmul.f32 v23, v24  }
0x10f: {  	v24 =	vmul.f32 v20, v7;
	v7 =	vmul.f32 v26, v19;
	v20 =	vsub.f32 $1.500000000e+00, v34  }
0x110: {  	v18 =	vsub.s32 $0x5F3759DF, v31;
	v29 =	vmul.f32 v30, v9;
	v15 =	vmul.f32 v23, v15;
	[tilespmem:s9+$0x10] =	vst v32  }
0x111: {  	v33 =	vmul.f32 v12, v2;
	v2 =	vmov v19;
	v31 =	vmul.f32 v24, v17  }
0x112: {  	v7 =	vmul.f32 v26, v7;
	v19 =	vmul.f32 v15, v23  }
0x113: {  	v13 =	vsub.f32 $1.500000000e+00, v13;
	v21 =	vmul.f32 $5.000000000e-01, v21;
	v15 =	vmul.f32 v28, v25  }
0x114: {  	v25 =	vmul.f32 v31, v24;
	v28 =	vmul.f32 v18, v10;
	v19 =	vsub.f32 $1.500000000e+00, v19  }
0x115: {  	v27 =	vmul.f32 v22, v27;
	v7 =	vsub.f32 $1.500000000e+00, v7;
	v31 =	vmul.f32 v4, v13;
	v4 =	vmovc v18  }
0x116: {  	v13 =	vsub.f32 $1.500000000e+00, v25;
	v18 =	vmul.f32 v19, v23;
	v23 =	vmul.f32 v33, v12  }
0x117: {  	v25 =	vsub.f32 $1.500000000e+00, v27;
	v7 =	vmul.f32 v26, v7;
	v26 =	vmul.f32 v20, v16  }
0x118: {  	v16 =	vmul.f32 v30, v29;
	v20 =	vmul.f32 v15, v5;
	[tilespmem:s14+$0x30] =	vst v18  }
0x119: {  	v19 =	vmul.f32 v13, v24;
	v13 =	vmul.f32 v31, v0;
	[tilespmem:s9+$0xFFFFFFC0] =	vst v26;
	v33 =	vld [tilespmem:s8+$0x10]  }
0x11a: {  	v34 =	vmul.f32 v11, v3;
	v3 =	vmovc v21;
	v16 =	vsub.f32 $1.500000000e+00, v16;
	v24 =	vmul.f32 v14, v21;
	v29 =	vld [tilespmem:s8+$0xFFFFFFC0]  }
0x11b: {  	v21 =	vmul.f32 v22, v25;
	v35 =	vmul.f32 v19, v17  }
0x11c: {  	v16 =	vmul.f32 v30, v16;
	v13 =	vmul.f32 v13, v31  }
.Ltmp4:
0x11d: {  	v22 =	vmul.f32 v14, v24;
	v25 =	vmul.f32 v21, v6;
	v17 =	vsub.f32 $1.500000000e+00, v23;
	v27 =	vld [tilespmem:s16+$0x30];
	(pc) =	sbr.rel @p0 .LBB2_8-.Ltmp4, $4  }
0x11e: {  	v34 =	vmul.f32 v34, v11;
	v24 =	vmul.f32 v16, v9;
	v30 =	vsub.f32 $1.500000000e+00, v13  }
0x11f: {  	v23 =	vsub.f32 $1.500000000e+00, v22;
	v22 =	vmul.f32 v25, v21;
	v26 =	vmul.f32 v26, v29  }
0x120: {  	v13 =	vmul.f32 v4, v28;
	v25 =	vsub.f32 $1.500000000e+00, v34;
	v29 =	vmul.f32 v35, v19  }
0x121: {  	s17 =	sadd.s32 $0x80, s17;
	s18 =	sadd.s32 $0x80, s18;
	v28 =	vsub.f32 $1.500000000e+00, v22;
	v22 =	vmul.f32 v30, v31;
	[tilespmem:s11+$0xFFFFFFC0] =	vst v26;
	v26 =	vmul.f32 v32, v33  }
0x122: {  	v20 =	vmul.f32 v20, v15  }
0x123: {  	v18 =	vmul.f32 v18, v27;
	v24 =	vmul.f32 v24, v16  }
0x124: {  	v12 =	vmul.f32 v17, v12;
	v14 =	vmul.f32 v14, v23  }
0x125: {  	v29 =	vsub.f32 $1.500000000e+00, v29;
	v11 =	vmul.f32 v25, v11;
	v45 =	vmul.f32 v7, v2  }
0x126: {  	v13 =	vsub.f32 $1.500000000e+00, v13;
	v1 =	vmul.f32 v8, v1;
	v0 =	vmul.f32 v22, v0  }
0x127: {  	v21 =	vmul.f32 v28, v21;
	v19 =	vmul.f32 v29, v19  }
0x128: {  	v20 =	vsub.f32 $1.500000000e+00, v20;
	v43 =	vmul.f32 v14, v3;
	v4 =	vmul.f32 v4, v13  }
0x129: {  	v40 =	vsub.f32 $1.500000000e+00, v24;
	v48 =	vmul.f32 v45, v7;
	v0 =	vmul.f32 v0, v22  }
0x12a: {  	[tilespmem:s9+$0x0] =	vst v11;
	v6 =	vmul.f32 v21, v6;
	v41 =	vmul.f32 v20, v15  }
0x12b: {  	[tilespmem:s9+$0x20] =	vst v12;
	v47 =	vld [tilespmem:s8+$0x0];
	v42 =	vmul.f32 v40, v16;
	v46 =	vmul.f32 v43, v14  }
0x12c: {  	v51 =	vld [tilespmem:s8+$0x20];
	v49 =	vmul.f32 v4, v10;
	v0 =	vsub.f32 $1.500000000e+00, v0;
	v6 =	vmul.f32 v6, v21  }
0x12d: {  	[tilespmem:s9+$0xFFFFFFE0] =	vst v1;
	v5 =	vmul.f32 v41, v5;
	v50 =	vsub.f32 $1.500000000e+00, v46;
	v9 =	vmul.f32 v42, v9  }
0x12e: {  	v55 =	vld [tilespmem:s8+$0xFFFFFFE0];
	v23 =	vmul.f32 v49, v4;
	v0 =	vmul.f32 v0, v22;
	v22 =	vsub.f32 $1.500000000e+00, v48  }
0x12f: {  	v8 =	vmul.f32 v50, v14;
	v9 =	vmul.f32 v9, v42  }
0x130: {  	[tilespmem:s11+$0x10] =	vst v26;
	v53 =	vsub.f32 $1.500000000e+00, v23;
	v11 =	vmul.f32 v11, v47;
	v52 =	vmul.f32 v22, v7  }
0x131: {  	[tilespmem:s7+$0x30] =	vst v18;
	v12 =	vmul.f32 v12, v51;
	v3 =	vmul.f32 v8, v3  }
0x132: {  	[tilespmem:s13+$0xFFFFFFD0] =	vst v19;
	v4 =	vmul.f32 v53, v4;
	v2 =	vmul.f32 v52, v2  }
0x133: {  	v1 =	vmul.f32 v1, v55;
	[tilespmem:s9+$0xFFFFFFF0] =	vst v0;
	v9 =	vsub.f32 $1.500000000e+00, v9;
	v3 =	vmul.f32 v3, v8  }
0x134: {  	v6 =	vsub.f32 $1.500000000e+00, v6;
	[tilespmem:s11+$0x0] =	vst v11;
	v54 =	vmul.f32 v4, v10;
	v2 =	vmul.f32 v2, v52  }
0x135: {  	v5 =	vmul.f32 v5, v41;
	[tilespmem:s11+$0x20] =	vst v12;
	v9 =	vmul.f32 v9, v42;
	v3 =	vsub.f32 $1.500000000e+00, v3  }
0x136: {  	v44 =	vld [tilespmem:s12+$0xFFFFFFD0];
	v6 =	vmul.f32 v6, v21;
	[tilespmem:s11+$0xFFFFFFE0] =	vst v1;
	v10 =	vmul.f32 v54, v4;
	v2 =	vsub.f32 $1.500000000e+00, v2  }
0x137: {  	v56 =	vld [tilespmem:s8+$0xFFFFFFF0];
	v5 =	vsub.f32 $1.500000000e+00, v5;
	[tilespmem:s13+$0xFFFFFFC0] =	vst v9;
	v3 =	vmul.f32 v3, v8  }
0x138: {  	[tilespmem:s13+$0x10] =	vst v6;
	v57 =	vld [tilespmem:s12+$0xFFFFFFC0];
	v58 =	vsub.f32 $1.500000000e+00, v10;
	v2 =	vmul.f32 v2, v52  }
0x139: {  	v59 =	vld [tilespmem:s12+$0x10];
	v5 =	vmul.f32 v5, v41;
	[tilespmem:s13+$0x0] =	vst v3  }
0x13a: {  	v4 =	vmul.f32 v58, v4;
	[tilespmem:s13+$0x20] =	vst v2;
	v60 =	vld [tilespmem:s12+$0x0]  }
0x13b: {  	v19 =	vmul.f32 v19, v44;
	[tilespmem:s13+$0xFFFFFFE0] =	vst v5;
	v61 =	vld [tilespmem:s12+$0x20]  }
0x13c: {  	v0 =	vmul.f32 v0, v56;
	v62 =	vld [tilespmem:s12+$0xFFFFFFE0];
	[tilespmem:s13+$0xFFFFFFF0] =	vst v4  }
0x13d: {  	[tilespmem:s7+$0xFFFFFFD0] =	vst v19;
	v1 =	vmul.f32 v9, v57;
	v63 =	vld [tilespmem:s12+$0xFFFFFFF0]  }
0x13e: {  	[tilespmem:s11+$0xFFFFFFF0] =	vst v0;
	v0 =	vmul.f32 v6, v59  }
0x13f: {  	[tilespmem:s7+$0xFFFFFFC0] =	vst v1;
	v1 =	vmul.f32 v3, v60  }
0x140: {  	[tilespmem:s7+$0x10] =	vst v0;
	v0 =	vmul.f32 v2, v61  }
0x141: {  	v2 =	vmul.f32 v5, v62;
	[tilespmem:s7+$0x0] =	vst v1  }
0x142: {  	v1 =	vmul.f32 v4, v63;
	[tilespmem:s7+$0x20] =	vst v0  }
0x143: {  	[tilespmem:s7+$0xFFFFFFE0] =	vst v2  }
0x144: {  	s30 =	simm.s32 $0xA580;
	s31 =	simm.s32 $0x4;
	[tilespmem:s7+$0xFFFFFFF0] =	vst v1  }
0x145: {  	[spmem:s10] =	stream.linear.scatter [tilespmem:s30], [sflag:$0x4], $0x280, $0x38;
	[tilespmem:$0xAD80] =	vst v63  }
0x146: {  	_ =	swait.ge [sflag:s31], $0x280  }
0x147: {  	[sflag:s31] =	ssyncset.done $0x0  }
0x148: {  	v0 =	vimm.f32 $0.0e+00;
	s7 =	simm.s32 $0xA5C0;
	[sflag:s31] =	ssyncadd.s32 $0xFFFFFD80  }
0x149: {  	[tilespmem:s7+$0xFFFFFFC0] =	vst v0  }
0x14a: {  	[tilespmem:s7+$0x30] =	vst v0  }
0x14b: {  	[tilespmem:s7+$0x20] =	vst v0  }
0x14c: {  	[tilespmem:s7+$0x10] =	vst v0  }
0x14d: {  	[tilespmem:s7+$0x0] =	vst v0  }
0x14e: {  	[tilespmem:s7+$0xFFFFFFF0] =	vst v0  }
0x14f: {  	s8 =	simm.s32 $0x0;
	[tilespmem:s7+$0xFFFFFFE0] =	vst v0  }
.LBB2_10:
0x150: {  	s8 =	sadd.s32 $0x8, s8;
	[tilespmem:s7+$0xFFFFFFD0] =	vst v0;
	s7 =	sadd.s32 $0x80, s7  }
0x151: {  	[tilespmem:s7+$0xFFFFFFC0] =	vst v0;
	p0 =	slt.u32 s8, $0x20  }
0x152: {  	[tilespmem:s7+$0x30] =	vst v0  }
.Ltmp5:
0x153: {  	[tilespmem:s7+$0x20] =	vst v0;
	(pc) =	sbr.rel @p0 .LBB2_10-.Ltmp5, $4  }
0x154: {  	[tilespmem:s7+$0x10] =	vst v0  }
0x155: {  	[tilespmem:s7+$0x0] =	vst v0  }
0x156: {  	[tilespmem:s7+$0xFFFFFFF0] =	vst v0  }
0x157: {  	[tilespmem:s7+$0xFFFFFFE0] =	vst v0  }
0x158: {  	[tilespmem:s7+$0xFFFFFFD0] =	vst v0;
	s26 =	simm.s32 $0xA580;
	s28 =	simm.s32 $0x4  }
0x159: {  	[spmem:s4] =	stream.linear.scatter [tilespmem:s26], [sflag:$0x4], $0x280, $0x38;
	[tilespmem:$0xAD80] =	vst v63  }
0x15a: {  	_ =	swait.ge [sflag:s28], $0x280  }
0x15b: {  	[sflag:s28] =	ssyncset.done $0x0  }
0x15c: {  	s8 =	simm.s32 $0x2710;
	[sflag:s28] =	ssyncadd.s32 $0xFFFFFD80  }
0x15d: {  	s9 =	simm.s32 $0x0;
	s10 =	simm.s32 $0x7680;
	[bflag:$0x0] =	sbarrier.arrive $0xFFFF  }
0x15e: {  	[tilespmem:s10], [sflag:$0x4] =	stream.indirect.gather [spmem:s3], $0x1, s9, s8, $0xb8;
	[tilespmem:$0xAD80] =	vst v63  }
0x15f: {  	_ =	swait.ge [sflag:s28], $0x2710  }
0x160: {  	[sflag:s28] =	ssyncset.done $0x0  }
0x161: {  	s29 =	simm.s32 $0x2780;
	[sflag:s28] =	ssyncadd.s32 $0xFFFFD8F0  }
0x162: {  	[spmem:s2] =	stream.indirect.scatter.add.f32 [tilespmem:s10], [sflag:$0x4], $0x1, s29, s8, $0xb8;
	[tilespmem:$0xAD80] =	vst v63  }
0x163: {  	_ =	swait.ge [sflag:s28], $0x2710  }
0x164: {  	[sflag:s28] =	ssyncset.done $0x0  }
0x165: {  	[sflag:s28] =	ssyncadd.s32 $0xFFFFD8F0  }
0x166: {  	s30 =	simm.s32 $0xA300;
	[bflag:$0x0] =	sbarrier.arrive $0xFFFF  }
0x167: {  	[tilespmem:s30], [sflag:$0x4] =	stream.linear.gather [spmem:s4], $0x280, $0x38;
	[tilespmem:$0xAD80] =	vst v63  }
0x168: {  	_ =	swait.ge [sflag:s28], $0x280  }
0x169: {  	[sflag:s28] =	ssyncset.done $0x0  }
0x16a: {  	[sflag:s28] =	ssyncadd.s32 $0xFFFFFD80  }
0x16b: {  	v2 =	vld [tilespmem:$0xA800]  }
0x16c: {  	v1 =	vld [tilespmem:$0xA810]  }
0x16d: {  	s31 =	simm.s32 $0x9E40;
	v0 =	vld [tilespmem:$0xA820]  }
0x16e: {  	s2 =	simm.s32 $0xA0C0;
	v7 =	vld [tilespmem:s31+$0x30]  }
0x16f: {  	v6 =	vld [tilespmem:s2+$0x30]  }
0x170: {  	s3 =	simm.s32 $0xA340;
	v3 =	vld [tilespmem:s2+$0xFFFFFFC0]  }
0x171: {  	v4 =	vld [tilespmem:s3+$0x30]  }
0x172: {  	v10 =	vld [tilespmem:s31+$0xFFFFFFD0]  }
0x173: {  	v5 =	vld [tilespmem:s2+$0xFFFFFFD0]  }
0x174: {  	v13 =	vld [tilespmem:s31+$0xFFFFFFE0]  }
0x175: {  	v8 =	vld [tilespmem:s2+$0xFFFFFFE0]  }
0x176: {  	v15 =	vld [tilespmem:s31+$0xFFFFFFF0]  }
0x177: {  	v9 =	vld [tilespmem:s2+$0xFFFFFFF0]  }
0x178: {  	v18 =	vld [tilespmem:s31+$0x0]  }
0x179: {  	v11 =	vld [tilespmem:s2+$0x0];
	v12 =	vmul.f32 v6, v7  }
0x17a: {  	v19 =	vld [tilespmem:s31+$0x10]  }
0x17b: {  	v21 =	vld [tilespmem:s31+$0xFFFFFFC0];
	v14 =	vadd.f32 v12, v4  }
0x17c: {  	v20 =	vld [tilespmem:s31+$0x20]  }
0x17d: {  	v27 =	vld [tilespmem:s3+$0xFFFFFFC0];
	v25 =	vmul.f32 v5, v10;
	v16 =	vmul.f32 v14, v6  }
0x17e: {  	v17 =	vmul.f32 v9, v15;
	v12 =	vld [tilespmem:s2+$0x10];
	v4 =	vmul.f32 v10, v2  }
0x17f: {  	v29 =	vld [tilespmem:s3+$0xFFFFFFD0];
	v10 =	vmul.f32 v7, v2;
	v22 =	vmul.f32 v16, v1  }
0x180: {  	v30 =	vmul.f32 v3, v21;
	v21 =	vmul.f32 v21, v2;
	v14 =	vld [tilespmem:s2+$0x20]  }
0x181: {  	v24 =	vld [tilespmem:s3+$0xFFFFFFE0];
	v7 =	vmul.f32 v15, v2;
	v6 =	vmul.f32 v13, v2;
	v15 =	vadd.f32 v22, v10  }
0x182: {  	v16 =	vmul.f32 v8, v13;
	v13 =	vmul.f32 v19, v2;
	v22 =	vld [tilespmem:s3+$0xFFFFFFF0]  }
0x183: {  	v26 =	vld [tilespmem:s3+$0x0];
	v19 =	vmul.f32 v12, v19;
	v10 =	vmul.f32 v18, v2;
	v28 =	vadd.f32 v15, v0  }
0x184: {  	s4 =	simm.s32 $0xA5C0;
	v23 =	vld [tilespmem:s3+$0x10];
	v18 =	vmul.f32 v11, v18;
	v15 =	vmul.f32 v20, v2  }
0x185: {  	s7 =	simm.s32 $0xA5C0;
	s9 =	simm.s32 $0x9EC0;
	s8 =	simm.s32 $0x0;
	v20 =	vmul.f32 v14, v20;
	[tilespmem:s4+$0x30] =	vst v28;
	v28 =	vadd.f32 v30, v27;
	v27 =	vadd.f32 v25, v29;
	v25 =	vld [tilespmem:s3+$0x20]  }
.LBB2_12:
0x186: {  	v29 =	vld [tilespmem:s9+$0x30];
	v16 =	vadd.f32 v16, v24;
	s2 =	sadd.s32 $0x80, s2  }
0x187: {  	s8 =	sadd.s32 $0x8, s8;
	v24 =	vld [tilespmem:s2+$0x30];
	v28 =	vmul.f32 v28, v3;
	v5 =	vmul.f32 v27, v5;
	v17 =	vadd.f32 v17, v22  }
0x188: {  	s3 =	sadd.s32 $0x80, s3;
	p0 =	slt.u32 s8, $0x20;
	v3 =	vld [tilespmem:s2+$0xFFFFFFC0];
	v8 =	vmul.f32 v16, v8;
	v16 =	vadd.f32 v18, v26  }
0x189: {  	v18 =	vld [tilespmem:s3+$0x30];
	v22 =	vmul.f32 v28, v1;
	v9 =	vmul.f32 v17, v9;
	v17 =	vadd.f32 v19, v23  }
0x18a: {  	v23 =	vmul.f32 v5, v1;
	v19 =	vld [tilespmem:s9+$0xFFFFFFD0];
	v11 =	vmul.f32 v16, v11;
	v16 =	vadd.f32 v20, v25  }
0x18b: {  	v5 =	vld [tilespmem:s2+$0xFFFFFFD0];
	v20 =	vadd.f32 v22, v21;
	v21 =	vmul.f32 v8, v1;
	v12 =	vmul.f32 v17, v12  }
0x18c: {  	v23 =	vadd.f32 v23, v4;
	v17 =	vld [tilespmem:s9+$0xFFFFFFE0];
	v22 =	vmul.f32 v24, v29;
	v4 =	vmul.f32 v16, v14  }
0x18d: {  	v11 =	vmul.f32 v11, v1;
	v8 =	vld [tilespmem:s2+$0xFFFFFFE0];
	v14 =	vadd.f32 v21, v6;
	v6 =	vmul.f32 v9, v1  }
0x18e: {  	v12 =	vmul.f32 v12, v1;
	v21 =	vld [tilespmem:s9+$0xFFFFFFF0];
	v16 =	vadd.f32 v22, v18;
	v18 =	vmul.f32 v4, v1  }
0x18f: {  	v25 =	vadd.f32 v11, v10;
	v4 =	vmul.f32 v19, v2;
	v9 =	vld [tilespmem:s2+$0xFFFFFFF0];
	v22 =	vadd.f32 v6, v7  }
0x190: {  	v13 =	vadd.f32 v12, v13;
	v27 =	vmul.f32 v5, v19;
	v19 =	vld [tilespmem:s9+$0x0];
	v7 =	vmul.f32 v16, v24  }
0x191: {  	v10 =	vadd.f32 v20, v0;
	v15 =	vadd.f32 v18, v15;
	v6 =	vmul.f32 v17, v2;
	v11 =	vld [tilespmem:s2+$0x0]  }
0x192: {  	v23 =	vadd.f32 v23, v0;
	v18 =	vmul.f32 v29, v2;
	v20 =	vld [tilespmem:s9+$0x10];
	v24 =	vmul.f32 v7, v1  }
0x193: {  	v26 =	vadd.f32 v14, v0;
	v16 =	vmul.f32 v8, v17;
	v7 =	vmul.f32 v21, v2;
	v12 =	vld [tilespmem:s2+$0x10];
	[tilespmem:s4+$0xFFFFFFC0] =	vst v10  }
0x194: {  	v22 =	vadd.f32 v22, v0;
	v17 =	vmul.f32 v9, v21;
	v21 =	vld [tilespmem:s9+$0x20];
	v24 =	vadd.f32 v24, v18;
	[tilespmem:s4+$0xFFFFFFD0] =	vst v23  }
0x195: {  	v23 =	vadd.f32 v25, v0;
	v25 =	vadd.f32 v13, v0;
	v10 =	vmul.f32 v19, v2;
	v14 =	vld [tilespmem:s2+$0x20];
	[tilespmem:s4+$0xFFFFFFE0] =	vst v26  }
0x196: {  	v28 =	vadd.f32 v15, v0;
	v26 =	vld [tilespmem:s9+$0xFFFFFFC0];
	v18 =	vmul.f32 v11, v19;
	v24 =	vadd.f32 v24, v0;
	[tilespmem:s4+$0xFFFFFFF0] =	vst v22  }
0x197: {  	s4 =	sadd.s32 $0x80, s4;
	v29 =	vld [tilespmem:s3+$0xFFFFFFC0];
	v13 =	vmul.f32 v20, v2;
	[tilespmem:s7+$0x0] =	vst v23  }
0x198: {  	v30 =	vld [tilespmem:s3+$0xFFFFFFD0];
	v19 =	vmul.f32 v12, v20;
	[tilespmem:s4+$0x30] =	vst v24  }
.Ltmp6:
0x199: {  	v24 =	vld [tilespmem:s3+$0xFFFFFFE0];
	v15 =	vmul.f32 v21, v2;
	[tilespmem:s7+$0x10] =	vst v25;
	(pc) =	sbr.rel @p0 .LBB2_12-.Ltmp6, $4  }
0x19a: {  	v22 =	vld [tilespmem:s3+$0xFFFFFFF0];
	v20 =	vmul.f32 v14, v21;
	[tilespmem:s7+$0x20] =	vst v28;
	s7 =	smov.u32 s4  }
0x19b: {  	v25 =	vmul.f32 v3, v26;
	v21 =	vmul.f32 v26, v2;
	v26 =	vld [tilespmem:s3+$0x0]  }
0x19c: {  	v23 =	vld [tilespmem:s3+$0x10]  }
0x19d: {  	s9 =	sadd.s32 $0x80, s9;
	v28 =	vadd.f32 v25, v29;
	v27 =	vadd.f32 v27, v30;
	v25 =	vld [tilespmem:s3+$0x20]  }
0x19e: {  	v2 =	vadd.f32 v16, v24  }
0x19f: {  	v3 =	vmul.f32 v28, v3;
	v51 =	vadd.f32 v17, v22  }
0x1a0: {  	v5 =	vmul.f32 v27, v5;
	v2 =	vmul.f32 v2, v8;
	v52 =	vadd.f32 v18, v26  }
0x1a1: {  	v3 =	vmul.f32 v3, v1;
	v9 =	vmul.f32 v51, v9;
	v53 =	vadd.f32 v19, v23  }
0x1a2: {  	v5 =	vmul.f32 v5, v1;
	v8 =	vmul.f32 v52, v11;
	v54 =	vadd.f32 v20, v25  }
0x1a3: {  	v2 =	vmul.f32 v2, v1;
	v3 =	vadd.f32 v3, v21;
	v12 =	vmul.f32 v53, v12  }
0x1a4: {  	v4 =	vadd.f32 v5, v4;
	v9 =	vmul.f32 v9, v1;
	v55 =	vmul.f32 v54, v14  }
0x1a5: {  	v2 =	vadd.f32 v2, v6;
	v56 =	vmul.f32 v8, v1;
	v3 =	vadd.f32 v3, v0  }
0x1a6: {  	v57 =	vmul.f32 v12, v1;
	v7 =	vadd.f32 v9, v7;
	v4 =	vadd.f32 v4, v0  }
0x1a7: {  	v58 =	vmul.f32 v55, v1;
	v59 =	vadd.f32 v56, v10;
	v2 =	vadd.f32 v2, v0;
	[tilespmem:s4+$0xFFFFFFC0] =	vst v3  }
0x1a8: {  	v60 =	vadd.f32 v57, v13;
	[tilespmem:s4+$0xFFFFFFD0] =	vst v4;
	v61 =	vadd.f32 v7, v0  }
0x1a9: {  	v1 =	vadd.f32 v58, v15;
	[tilespmem:s4+$0xFFFFFFE0] =	vst v2;
	v62 =	vadd.f32 v59, v0  }
0x1aa: {  	v3 =	vadd.f32 v60, v0;
	[tilespmem:s4+$0xFFFFFFF0] =	vst v61  }
0x1ab: {  	v63 =	vadd.f32 v1, v0;
	[tilespmem:s7+$0x0] =	vst v62  }
0x1ac: {  	p0 =	seq.s32 s1, $0xF;
	[tilespmem:s7+$0x10] =	vst v3  }
0x1ad: {  	s2 =	simm.s32 @p0 $0x0;
	s3 =	simm.s32 @p0 $0xA580;
	[tilespmem:s7+$0x20] =	vst v63  }
0x1ae: {  	[hbm4b:s6+s2] =	stream.linear.scatter @p0 [tilespmem:s3], [sflag:$0x4], $0x190, $0x38;
	[tilespmem:$0xAD80] =	vst v63  }
0x1af: {  	s2 =	simm.s32 @p0 $0x4  }
0x1b0: {  	_ =	swait.ge @p0 [sflag:s2], $0x190  }
0x1b1: {  	[sflag:s2] =	ssyncset.done @p0 $0x0  }
0x1b2: {  	s3 =	simm.s32 @!p0 $0xA580;
	[sflag:s2] =	ssyncadd.s32 @p0 $0xFFFFFE70;
	s2 =	simm.s32 @!p0 $0x0  }
0x1b3: {  	[hbm4b:s5+s2] =	stream.linear.scatter @!p0 [tilespmem:s3], [sflag:$0x4], $0x280, $0x38;
	[tilespmem:$0xAD80] =	vst v63  }
0x1b4: {  	s2 =	simm.s32 @!p0 $0x4  }
0x1b5: {  	_ =	swait.ge @!p0 [sflag:s2], $0x280  }
0x1b6: {  	[sflag:s2] =	ssyncset.done @!p0 $0x0  }
0x1b7: {  	[sflag:s2] =	ssyncadd.s32 @!p0 $0xFFFFFD80  }
0x1b8: {  	_ =	sfence.sel $0x180000  }
0x1b9: {  	[bflag:$0x0] =	sbarrier.arrive $0xFFFF  }
0x1ba: {  	p0 =	sne.s32 s1, $0x0;
	_ =	strace $0x90000047  }
0x1bb: {  	s0 =	sadd.s32 @!p0 $0x100000, s0;
	[bflag:$0x2] =	sbarrier.arrive $0xFFFF  }
0x1bc: {  	[sflag:s0] =	ssyncadd.tile.s32 @!p0 $0x1;
	_ =	shalt  }
.Lfunc_end2:
_tile_overlayer_lowered:
.L_overlay_start_2:
0x1bd: {  	(tag) =	ssettag $0x2  }
0x1be: {  	s0 =	rddreg [dreg:$0x0];
	s2 =	stileid.u32  }
0x1bf: {  	s1 =	rddreg [dreg:$0x1];
	p0 =	sne.s32 s2, $0x0  }
0x1c0: {  	s3 =	rddreg [dreg:$0x2];
	[bflag:$0x3] =	sbarrier.arrive $0xFFFF;
	s2 =	simm.s32 @!p0 $0x1C04  }
0x1c1: {  	[timem:s3], [sflag:s2] =	dma.local @!p0 [hbm:s0], s1  }
0x1c2: {  	s0 =	simm.s32 @!p0 $0x4  }
0x1c3: {  	_ =	swait.ge @!p0 [sflag:s0], s1  }
0x1c4: {  	s1 =	ssub.s32 @!p0 $0x0, s1;
	[sflag:s0] =	ssyncset.done @!p0 $0x0  }
0x1c5: {  	[sflag:s0] =	ssyncadd.s32 @!p0 s1  }
0x1c6: {  	[bflag:$0x3] =	sbarrier.arrive $0xFFFF  }
0x1c7: {  	_ =	shalt  }

</sc_bundles>
